<compile_context>
chip_gen: v7x
topology: tpu7x:2x2x1
jax: 0.10.2.dev20260603
libtpu: 0.0.44.dev20260713+nightly
codegen_flags: <defaults>
</compile_context>

<pallas_src>
import jax
import jax.numpy as jnp
from jax import lax
from jax.experimental import pallas as pl
from jax.experimental.pallas import tpu as pltpu
from jax.experimental.pallas import tpu_sc as plsc

_NUM_ATOMS = 320000
_FEA = 128
_NG = 10000
_NC = 2
_NS = 16
_ROW = 128
_NROWS = _NUM_ATOMS // _ROW
_COLS = _FEA // _NC
_GROWS = _NG // _NS
_BLK = _NROWS // _NS
_CH = 2
_NBUF = 4


def _pool_body(feas, owner2d, zrows, out, own_v, rows_v, *sems):
    load_sems = sems[:_NBUF]
    scat_sems = sems[_NBUF : 2 * _NBUF]
    acc = sems[2 * _NBUF]
    c = lax.axis_index("c")
    s = lax.axis_index("s")
    col0 = c * _COLS

    pltpu.sync_copy(zrows, acc.at[pl.ds(s * _GROWS, _GROWS)])
    plsc.subcore_barrier()

    base = s * _BLK + jnp.minimum(s, _NROWS % _NS)
    pltpu.sync_copy(owner2d.at[pl.ds(base, _BLK)], own_v.at[pl.ds(0, _BLK)])

    nfull = _BLK // _CH

    def feas_chunk(j):
        return feas.at[pl.ds((base + j * _CH) * _ROW, _CH * _ROW), pl.ds(col0, _COLS)]

    def fire_scatters(j, b):
        for k in range(_CH):
            pltpu.async_copy(
                rows_v.at[b, pl.ds(k * _ROW, _ROW)],
                acc.at[own_v.at[j * _CH + k]],
                scat_sems[b],
                add=True,
            )

    def drain_scatters(b):
        for _ in range(_CH):
            pltpu.make_async_copy(
                rows_v.at[b, pl.ds(0, _ROW)], acc.at[own_v.at[0]], scat_sems[b]
            ).wait()

    def step(j, bs):
        pltpu.make_async_copy(feas_chunk(j), rows_v.at[bs], load_sems[bs]).wait()
        fire_scatters(j, bs)
        br = (bs + 3) % _NBUF

        @pl.when(j >= 1)
        def _drain_prev():
            drain_scatters(br)

        @pl.when(j + 3 < nfull)
        def _refill():
            pltpu.async_copy(feas_chunk(j + 3), rows_v.at[br], load_sems[br])

    pltpu.async_copy(feas_chunk(0), rows_v.at[0], load_sems[0])
    pltpu.async_copy(feas_chunk(1), rows_v.at[1], load_sems[1])
    pltpu.async_copy(feas_chunk(2), rows_v.at[2], load_sems[2])

    def quad(p, carry):
        for bs in range(_NBUF):
            step(p * _NBUF + bs, bs)
        return carry

    lax.fori_loop(0, nfull // _NBUF, quad, 0)
    for j in range(nfull - nfull % _NBUF, nfull):
        step(j, j % _NBUF)
    drain_scatters((nfull - 1) % _NBUF)

    @pl.when(s < _NROWS % _NS)
    def _tail():
        pltpu.sync_copy(owner2d.at[base + _BLK], own_v.at[_BLK])
        pltpu.sync_copy(
            feas.at[pl.ds((base + _BLK) * _ROW, _ROW), pl.ds(col0, _COLS)],
            rows_v.at[0, pl.ds(0, _ROW)],
        )
        pltpu.async_copy(
            rows_v.at[0, pl.ds(0, _ROW)], acc.at[own_v.at[_BLK]], scat_sems[0], add=True
        ).wait()

    plsc.subcore_barrier()

    pltpu.sync_copy(
        acc.at[pl.ds(s * _GROWS, _GROWS)],
        out.at[pl.ds(s * _GROWS, _GROWS), pl.ds(col0, _COLS)],
    )


@jax.jit
def kernel(atom_feas, atom_owner):
    owner2d = atom_owner.astype(jnp.int32).reshape(_NROWS, _ROW)
    zrows = jnp.zeros((_GROWS, _COLS), jnp.float32)
    mesh = plsc.VectorSubcoreMesh(core_axis_name="c", subcore_axis_name="s")
    run = pl.kernel(
        _pool_body,
        out_type=jax.ShapeDtypeStruct((_NG, _FEA), jnp.float32),
        mesh=mesh,
        scratch_types=[
            pltpu.VMEM((_BLK + 1, _ROW), jnp.int32),
            pltpu.VMEM((_NBUF, _CH * _ROW, _COLS), jnp.float32),
        ]
        + [pltpu.SemaphoreType.DMA] * (2 * _NBUF)
        + [pltpu.VMEM_SHARED((_NG, _COLS), jnp.float32)],
        compiler_params=pltpu.CompilerParams(use_tc_tiling_on_sc=False),
    )
    return run(atom_feas, owner2d, zrows)

# --- scband reference (transcript-rebuilt; emitter-appended) ---
"""Pipeline reference for scband-graph-pooling-17437567222210 (READ-ONLY COPY).

The authoritative reference and input builder live on the scoring server;
editing this copy changes nothing except your own understanding.
"""

import jax, jax.numpy as jnp
import numpy as np

NUM_ATOMS = 320000
FEA_DIM = 128
NUM_GRAPHS = 10000
AVERAGE = False


def setup_inputs(seed: int = 0) -> dict:
    key = jax.random.key(seed)
    k1, k2 = jax.random.split(key)
    atom_feas = jax.random.normal(k1, (NUM_ATOMS, FEA_DIM), dtype=jnp.float32)
    atom_owner = jnp.sort(jax.random.randint(k2, (NUM_ATOMS,), 0, NUM_GRAPHS, dtype=jnp.int64))
    return {"atom_feas": atom_feas, "atom_owner": atom_owner}


def reference(atom_feas, atom_owner):
    # aggregate: scatter-add atom features into per-graph (crystal) slots
    crystal_feas = jax.ops.segment_sum(atom_feas, atom_owner, num_segments=NUM_GRAPHS)
    if AVERAGE:
        counts = jax.ops.segment_sum(jnp.ones((atom_feas.shape[0],), dtype=atom_feas.dtype), atom_owner, num_segments=NUM_GRAPHS)
        crystal_feas = crystal_feas / jnp.clip(counts, 1.0, None)[:, None]
    return crystal_feas

if __name__ == "__main__":
    import jax
    _d = setup_inputs()
    print(jax.jit(kernel)(*tuple(_d.values())))

</pallas_src>

<mosaic_0001>
#map = affine_map<(d0, d1) -> (0, 0)>
module attributes {stable_mosaic.version = 14 : i64} {
  func.func @_pool_body(%arg0: i32, %arg1: i32, %arg2: memref<320000x128xf32, #tpu.memory_space<hbm>>, %arg3: memref<2500x128xi32, #tpu.memory_space<hbm>>, %arg4: memref<625x64xf32, #tpu.memory_space<hbm>>, %arg5: memref<10000x128xf32, #tpu.memory_space<hbm>>, %arg6: memref<157x128xi32, #tpu.memory_space<vmem>>, %arg7: memref<4x256x64xf32, #tpu.memory_space<vmem>>, %arg8: memref<!tpu.dma_semaphore, #tpu.memory_space<semaphore_mem>>, %arg9: memref<!tpu.dma_semaphore, #tpu.memory_space<semaphore_mem>>, %arg10: memref<!tpu.dma_semaphore, #tpu.memory_space<semaphore_mem>>, %arg11: memref<!tpu.dma_semaphore, #tpu.memory_space<semaphore_mem>>, %arg12: memref<!tpu.dma_semaphore, #tpu.memory_space<semaphore_mem>>, %arg13: memref<!tpu.dma_semaphore, #tpu.memory_space<semaphore_mem>>, %arg14: memref<!tpu.dma_semaphore, #tpu.memory_space<semaphore_mem>>, %arg15: memref<!tpu.dma_semaphore, #tpu.memory_space<semaphore_mem>>, %arg16: memref<10000x64xf32, #tpu.memory_space<vmem_shared>>) attributes {dimension_semantics = [#tpu.dimension_semantics<core_parallel>, #tpu.dimension_semantics<subcore_parallel>], iteration_bounds = array<i64: 2, 16>, scalar_prefetch = 0 : i64, scratch_operands = 11 : i64, tpu.core_type = #tpu.core_type<sc_vector_subcore>, window_params = [{transform_indices = #map}, {transform_indices = #map}, {transform_indices = #map}, {transform_indices = #map}]} {
    %mul3A = arith.constant 64 : i32
    %mul3A_0 = arith.muli %arg0, %mul3A : i32
    %mul3A_1 = arith.constant 625 : i32
    %mul3A_2 = arith.muli %arg1, %mul3A_1 : i32
    "tpu.region"() ({
      %run_scoped3A = tpu.sem_alloc : memref<!tpu.dma_semaphore, #tpu.memory_space<semaphore_mem>>
      %dma_start3A_211 = arith.constant 0 : i32
      %dma_start3A_212 = tpu.memref_slice %arg16[%mul3A_2, %dma_start3A_211] : memref<10000x64xf32, #tpu.memory_space<vmem_shared>> -> memref<625x64xf32, #tpu.memory_space<vmem_shared>>
      tpu.enqueue_dma source(%arg4 : memref<625x64xf32, #tpu.memory_space<hbm>>) target(%dma_start3A_212 : memref<625x64xf32, #tpu.memory_space<vmem_shared>>) target_semaphore(%run_scoped3A : memref<!tpu.dma_semaphore, #tpu.memory_space<semaphore_mem>>)
      %dma_wait3A_213 = arith.constant 0 : i32
      %dma_wait3A_214 = tpu.memref_slice %arg16[%mul3A_2, %dma_wait3A_213] : memref<10000x64xf32, #tpu.memory_space<vmem_shared>> -> memref<625x64xf32, #tpu.memory_space<vmem_shared>>
      tpu.wait_dma2 semaphore(%run_scoped3A : memref<!tpu.dma_semaphore, #tpu.memory_space<semaphore_mem>>) src(%arg4 : memref<625x64xf32, #tpu.memory_space<hbm>>) dst(%dma_wait3A_214 : memref<625x64xf32, #tpu.memory_space<vmem_shared>>)
      tpu.yield
    }) : () -> ()
    %barrier3A = arith.constant 0 : index
    tpu.barrier barrier_id(%barrier3A)
    %mul3A_3 = arith.constant 156 : i32
    %mul3A_4 = arith.muli %arg1, %mul3A_3 : i32
    %min3A = arith.constant 4 : i32
    %min3A_5 = arith.minsi %arg1, %min3A : i32
    %add3A = arith.addi %mul3A_4, %min3A_5 : i32
    "tpu.region"() ({
      %run_scoped3A = tpu.sem_alloc : memref<!tpu.dma_semaphore, #tpu.memory_space<semaphore_mem>>
      %dma_start3A_211 = arith.constant 0 : i32
      %dma_start3A_212 = arith.constant 0 : i32
      %dma_start3A_213 = tpu.memref_slice %arg6[%dma_start3A_211, %dma_start3A_212] : memref<157x128xi32, #tpu.memory_space<vmem>> -> memref<156x128xi32, #tpu.memory_space<vmem>>
      %dma_start3A_214 = arith.constant 0 : i32
      %dma_start3A_215 = tpu.memref_slice %arg3[%add3A, %dma_start3A_214] : memref<2500x128xi32, #tpu.memory_space<hbm>> -> memref<156x128xi32, #tpu.memory_space<hbm>>
      %dma_start3A_216 = arith.constant 0 : i32
      %dma_start3A_217 = arith.constant 0 : i32
      %dma_start3A_218 = tpu.memref_slice %arg6[%dma_start3A_216, %dma_start3A_217] : memref<157x128xi32, #tpu.memory_space<vmem>> -> memref<156x128xi32, #tpu.memory_space<vmem>>
      %dma_start3A_219 = arith.constant 0 : i32
      %dma_start3A_220 = tpu.memref_slice %arg3[%add3A, %dma_start3A_219] : memref<2500x128xi32, #tpu.memory_space<hbm>> -> memref<156x128xi32, #tpu.memory_space<hbm>>
      tpu.enqueue_dma source(%dma_start3A_220 : memref<156x128xi32, #tpu.memory_space<hbm>>) target(%dma_start3A_218 : memref<156x128xi32, #tpu.memory_space<vmem>>) target_semaphore(%run_scoped3A : memref<!tpu.dma_semaphore, #tpu.memory_space<semaphore_mem>>)
      %dma_wait3A_221 = arith.constant 0 : i32
      %dma_wait3A_222 = arith.constant 0 : i32
      %dma_wait3A_223 = tpu.memref_slice %arg6[%dma_wait3A_221, %dma_wait3A_222] : memref<157x128xi32, #tpu.memory_space<vmem>> -> memref<156x128xi32, #tpu.memory_space<vmem>>
      %dma_wait3A_224 = arith.constant 0 : i32
      %dma_wait3A_225 = tpu.memref_slice %arg3[%add3A, %dma_wait3A_224] : memref<2500x128xi32, #tpu.memory_space<hbm>> -> memref<156x128xi32, #tpu.memory_space<hbm>>
      %dma_wait3A_226 = arith.constant 0 : i32
      %dma_wait3A_227 = arith.constant 0 : i32
      %dma_wait3A_228 = tpu.memref_slice %arg6[%dma_wait3A_226, %dma_wait3A_227] : memref<157x128xi32, #tpu.memory_space<vmem>> -> memref<156x128xi32, #tpu.memory_space<vmem>>
      %dma_wait3A_229 = arith.constant 0 : i32
      %dma_wait3A_230 = tpu.memref_slice %arg3[%add3A, %dma_wait3A_229] : memref<2500x128xi32, #tpu.memory_space<hbm>> -> memref<156x128xi32, #tpu.memory_space<hbm>>
      tpu.wait_dma2 semaphore(%run_scoped3A : memref<!tpu.dma_semaphore, #tpu.memory_space<semaphore_mem>>) src(%dma_wait3A_230 : memref<156x128xi32, #tpu.memory_space<hbm>>) dst(%dma_wait3A_228 : memref<156x128xi32, #tpu.memory_space<vmem>>)
      tpu.yield
    }) : () -> ()
    %add3A_6 = arith.constant 0 : i32
    %add3A_7 = arith.addi %add3A, %add3A_6 : i32
    %mul3A_8 = arith.constant 128 : i32
    %mul3A_9 = arith.muli %add3A_7, %mul3A_8 : i32
    %dma_start3A = arith.constant 0 : i32
    %dma_start3A_10 = arith.constant 0 : i32
    %dma_start3A_11 = arith.constant 0 : i32
    %dma_start3A_12 = tpu.memref_slice %arg7[%dma_start3A, %dma_start3A_10, %dma_start3A_11] : memref<4x256x64xf32, #tpu.memory_space<vmem>> -> memref<1x256x64xf32, #tpu.memory_space<vmem>>
    %dma_start3A_13 = tpu.memref_squeeze %dma_start3A_12 : memref<1x256x64xf32, #tpu.memory_space<vmem>> -> memref<256x64xf32, #tpu.memory_space<vmem>>
    %dma_start3A_14 = tpu.memref_slice %arg2[%mul3A_9, %mul3A_0] : memref<320000x128xf32, #tpu.memory_space<hbm>> -> memref<256x64xf32, #tpu.memory_space<hbm>>
    %dma_start3A_15 = arith.constant 0 : i32
    %dma_start3A_16 = arith.constant 0 : i32
    %dma_start3A_17 = tpu.memref_slice %arg7[%dma_start3A, %dma_start3A_15, %dma_start3A_16] : memref<4x256x64xf32, #tpu.memory_space<vmem>> -> memref<1x256x64xf32, #tpu.memory_space<vmem>>
    %dma_start3A_18 = tpu.memref_squeeze %dma_start3A_17 : memref<1x256x64xf32, #tpu.memory_space<vmem>> -> memref<256x64xf32, #tpu.memory_space<vmem>>
    %dma_start3A_19 = tpu.memref_slice %arg2[%mul3A_9, %mul3A_0] : memref<320000x128xf32, #tpu.memory_space<hbm>> -> memref<256x64xf32, #tpu.memory_space<hbm>>
    tpu.enqueue_dma source(%dma_start3A_19 : memref<256x64xf32, #tpu.memory_space<hbm>>) target(%dma_start3A_18 : memref<256x64xf32, #tpu.memory_space<vmem>>) target_semaphore(%arg8 : memref<!tpu.dma_semaphore, #tpu.memory_space<semaphore_mem>>)
    %add3A_20 = arith.constant 2 : i32
    %add3A_21 = arith.addi %add3A, %add3A_20 : i32
    %mul3A_22 = arith.constant 128 : i32
    %mul3A_23 = arith.muli %add3A_21, %mul3A_22 : i32
    %dma_start3A_24 = arith.constant 1 : i32
    %dma_start3A_25 = arith.constant 0 : i32
    %dma_start3A_26 = arith.constant 0 : i32
    %dma_start3A_27 = tpu.memref_slice %arg7[%dma_start3A_24, %dma_start3A_25, %dma_start3A_26] : memref<4x256x64xf32, #tpu.memory_space<vmem>> -> memref<1x256x64xf32, #tpu.memory_space<vmem>>
    %dma_start3A_28 = tpu.memref_squeeze %dma_start3A_27 : memref<1x256x64xf32, #tpu.memory_space<vmem>> -> memref<256x64xf32, #tpu.memory_space<vmem>>
    %dma_start3A_29 = tpu.memref_slice %arg2[%mul3A_23, %mul3A_0] : memref<320000x128xf32, #tpu.memory_space<hbm>> -> memref<256x64xf32, #tpu.memory_space<hbm>>
    %dma_start3A_30 = arith.constant 0 : i32
    %dma_start3A_31 = arith.constant 0 : i32
    %dma_start3A_32 = tpu.memref_slice %arg7[%dma_start3A_24, %dma_start3A_30, %dma_start3A_31] : memref<4x256x64xf32, #tpu.memory_space<vmem>> -> memref<1x256x64xf32, #tpu.memory_space<vmem>>
    %dma_start3A_33 = tpu.memref_squeeze %dma_start3A_32 : memref<1x256x64xf32, #tpu.memory_space<vmem>> -> memref<256x64xf32, #tpu.memory_space<vmem>>
    %dma_start3A_34 = tpu.memref_slice %arg2[%mul3A_23, %mul3A_0] : memref<320000x128xf32, #tpu.memory_space<hbm>> -> memref<256x64xf32, #tpu.memory_space<hbm>>
    tpu.enqueue_dma source(%dma_start3A_34 : memref<256x64xf32, #tpu.memory_space<hbm>>) target(%dma_start3A_33 : memref<256x64xf32, #tpu.memory_space<vmem>>) target_semaphore(%arg9 : memref<!tpu.dma_semaphore, #tpu.memory_space<semaphore_mem>>)
    %add3A_35 = arith.constant 4 : i32
    %add3A_36 = arith.addi %add3A, %add3A_35 : i32
    %mul3A_37 = arith.constant 128 : i32
    %mul3A_38 = arith.muli %add3A_36, %mul3A_37 : i32
    %dma_start3A_39 = arith.constant 2 : i32
    %dma_start3A_40 = arith.constant 0 : i32
    %dma_start3A_41 = arith.constant 0 : i32
    %dma_start3A_42 = tpu.memref_slice %arg7[%dma_start3A_39, %dma_start3A_40, %dma_start3A_41] : memref<4x256x64xf32, #tpu.memory_space<vmem>> -> memref<1x256x64xf32, #tpu.memory_space<vmem>>
    %dma_start3A_43 = tpu.memref_squeeze %dma_start3A_42 : memref<1x256x64xf32, #tpu.memory_space<vmem>> -> memref<256x64xf32, #tpu.memory_space<vmem>>
    %dma_start3A_44 = tpu.memref_slice %arg2[%mul3A_38, %mul3A_0] : memref<320000x128xf32, #tpu.memory_space<hbm>> -> memref<256x64xf32, #tpu.memory_space<hbm>>
    %dma_start3A_45 = arith.constant 0 : i32
    %dma_start3A_46 = arith.constant 0 : i32
    %dma_start3A_47 = tpu.memref_slice %arg7[%dma_start3A_39, %dma_start3A_45, %dma_start3A_46] : memref<4x256x64xf32, #tpu.memory_space<vmem>> -> memref<1x256x64xf32, #tpu.memory_space<vmem>>
    %dma_start3A_48 = tpu.memref_squeeze %dma_start3A_47 : memref<1x256x64xf32, #tpu.memory_space<vmem>> -> memref<256x64xf32, #tpu.memory_space<vmem>>
    %dma_start3A_49 = tpu.memref_slice %arg2[%mul3A_38, %mul3A_0] : memref<320000x128xf32, #tpu.memory_space<hbm>> -> memref<256x64xf32, #tpu.memory_space<hbm>>
    tpu.enqueue_dma source(%dma_start3A_49 : memref<256x64xf32, #tpu.memory_space<hbm>>) target(%dma_start3A_48 : memref<256x64xf32, #tpu.memory_space<vmem>>) target_semaphore(%arg10 : memref<!tpu.dma_semaphore, #tpu.memory_space<semaphore_mem>>)
    %scan3A = arith.constant 0 : i32
    %scan3A_50 = arith.constant 0 : i32
    %scan3A_51 = arith.constant 19 : i32
    %scan3A_52 = arith.addi %scan3A_50, %scan3A_51 : i32
    %scan3A_53 = arith.constant 1 : i32
    scf.for %scan3A_211 = %scan3A_50 to %scan3A_52 step %scan3A_53  : i32 {
      %mul3A_212 = arith.constant 4 : i32
      %mul3A_213 = arith.muli %scan3A_211, %mul3A_212 : i32
      %add3A_214 = arith.constant 0 : i32
      %add3A_215 = arith.addi %mul3A_213, %add3A_214 : i32
      %mul3A_216 = arith.constant 2 : i32
      %mul3A_217 = arith.muli %add3A_215, %mul3A_216 : i32
      %add3A_218 = arith.addi %add3A, %mul3A_217 : i32
      %mul3A_219 = arith.constant 128 : i32
      %mul3A_220 = arith.muli %add3A_218, %mul3A_219 : i32
      %dma_wait3A_221 = arith.constant 0 : i32
      %dma_wait3A_222 = arith.constant 0 : i32
      %dma_wait3A_223 = arith.constant 0 : i32
      %dma_wait3A_224 = tpu.memref_slice %arg7[%dma_wait3A_221, %dma_wait3A_222, %dma_wait3A_223] : memref<4x256x64xf32, #tpu.memory_space<vmem>> -> memref<1x256x64xf32, #tpu.memory_space<vmem>>
      %dma_wait3A_225 = tpu.memref_squeeze %dma_wait3A_224 : memref<1x256x64xf32, #tpu.memory_space<vmem>> -> memref<256x64xf32, #tpu.memory_space<vmem>>
      %dma_wait3A_226 = tpu.memref_slice %arg2[%mul3A_220, %mul3A_0] : memref<320000x128xf32, #tpu.memory_space<hbm>> -> memref<256x64xf32, #tpu.memory_space<hbm>>
      %dma_wait3A_227 = arith.constant 0 : i32
      %dma_wait3A_228 = arith.constant 0 : i32
      %dma_wait3A_229 = tpu.memref_slice %arg7[%dma_wait3A_221, %dma_wait3A_227, %dma_wait3A_228] : memref<4x256x64xf32, #tpu.memory_space<vmem>> -> memref<1x256x64xf32, #tpu.memory_space<vmem>>
      %dma_wait3A_230 = tpu.memref_squeeze %dma_wait3A_229 : memref<1x256x64xf32, #tpu.memory_space<vmem>> -> memref<256x64xf32, #tpu.memory_space<vmem>>
      %dma_wait3A_231 = tpu.memref_slice %arg2[%mul3A_220, %mul3A_0] : memref<320000x128xf32, #tpu.memory_space<hbm>> -> memref<256x64xf32, #tpu.memory_space<hbm>>
      tpu.wait_dma2 semaphore(%arg8 : memref<!tpu.dma_semaphore, #tpu.memory_space<semaphore_mem>>) src(%dma_wait3A_231 : memref<256x64xf32, #tpu.memory_space<hbm>>) dst(%dma_wait3A_230 : memref<256x64xf32, #tpu.memory_space<vmem>>)
      %mul3A_232 = arith.constant 2 : i32
      %mul3A_233 = arith.muli %add3A_215, %mul3A_232 : i32
      %add3A_234 = arith.constant 0 : i32
      %add3A_235 = arith.addi %mul3A_233, %add3A_234 : i32
      %dma_start3A_236 = arith.constant 0 : i32
      %dma_start3A_237 = arith.constant 0 : i32
      %dma_start3A_238 = arith.constant 0 : i32
      %dma_start3A_239 = tpu.memref_slice %arg7[%dma_start3A_236, %dma_start3A_237, %dma_start3A_238] : memref<4x256x64xf32, #tpu.memory_space<vmem>> -> memref<1x128x64xf32, #tpu.memory_space<vmem>>
      %dma_start3A_240 = tpu.memref_squeeze %dma_start3A_239 : memref<1x128x64xf32, #tpu.memory_space<vmem>> -> memref<128x64xf32, #tpu.memory_space<vmem>>
      %dma_start3A_241 = arith.constant 0 : i32
      %dma_start3A_242 = tpu.memref_slice %arg6[%add3A_235, %dma_start3A_241] : memref<157x128xi32, #tpu.memory_space<vmem>> -> memref<1x128xi32, #tpu.memory_space<vmem>>
      %dma_start3A_243 = tpu.memref_squeeze %dma_start3A_242 : memref<1x128xi32, #tpu.memory_space<vmem>> -> memref<128xi32, #tpu.memory_space<vmem>>
      %dma_start3A_244 = arith.constant 0 : i32
      %dma_start3A_245 = arith.constant 0 : i32
      %dma_start3A_246 = tpu.memref_slice %arg16[%dma_start3A_244, %dma_start3A_245] : memref<10000x64xf32, #tpu.memory_space<vmem_shared>> -> memref<10000x64xf32, #tpu.memory_space<vmem_shared>>
      tpu.enqueue_indirect_dma source(%dma_start3A_240 : memref<128x64xf32, #tpu.memory_space<vmem>>) target(%dma_start3A_246 : memref<10000x64xf32, #tpu.memory_space<vmem_shared>>) offsets(%dma_start3A_243 : memref<128xi32, #tpu.memory_space<vmem>>) semaphore(%arg12 : memref<!tpu.dma_semaphore, #tpu.memory_space<semaphore_mem>>) {add = true}
      %mul3A_247 = arith.constant 2 : i32
      %mul3A_248 = arith.muli %add3A_215, %mul3A_247 : i32
      %add3A_249 = arith.constant 1 : i32
      %add3A_250 = arith.addi %mul3A_248, %add3A_249 : i32
      %dma_start3A_251 = arith.constant 0 : i32
      %dma_start3A_252 = arith.constant 128 : i32
      %dma_start3A_253 = arith.constant 0 : i32
      %dma_start3A_254 = tpu.memref_slice %arg7[%dma_start3A_251, %dma_start3A_252, %dma_start3A_253] : memref<4x256x64xf32, #tpu.memory_space<vmem>> -> memref<1x128x64xf32, #tpu.memory_space<vmem>>
      %dma_start3A_255 = tpu.memref_squeeze %dma_start3A_254 : memref<1x128x64xf32, #tpu.memory_space<vmem>> -> memref<128x64xf32, #tpu.memory_space<vmem>>
      %dma_start3A_256 = arith.constant 0 : i32
      %dma_start3A_257 = tpu.memref_slice %arg6[%add3A_250, %dma_start3A_256] : memref<157x128xi32, #tpu.memory_space<vmem>> -> memref<1x128xi32, #tpu.memory_space<vmem>>
      %dma_start3A_258 = tpu.memref_squeeze %dma_start3A_257 : memref<1x128xi32, #tpu.memory_space<vmem>> -> memref<128xi32, #tpu.memory_space<vmem>>
      %dma_start3A_259 = arith.constant 0 : i32
      %dma_start3A_260 = arith.constant 0 : i32
      %dma_start3A_261 = tpu.memref_slice %arg16[%dma_start3A_259, %dma_start3A_260] : memref<10000x64xf32, #tpu.memory_space<vmem_shared>> -> memref<10000x64xf32, #tpu.memory_space<vmem_shared>>
      tpu.enqueue_indirect_dma source(%dma_start3A_255 : memref<128x64xf32, #tpu.memory_space<vmem>>) target(%dma_start3A_261 : memref<10000x64xf32, #tpu.memory_space<vmem_shared>>) offsets(%dma_start3A_258 : memref<128xi32, #tpu.memory_space<vmem>>) semaphore(%arg12 : memref<!tpu.dma_semaphore, #tpu.memory_space<semaphore_mem>>) {add = true}
      %ge3A = arith.constant 1 : i32
      %ge3A_262 = arith.cmpi sge, %add3A_215, %ge3A : i32
      %convert_element_type3A_263 = arith.extui %ge3A_262 : i1 to i32
      %cond3A_264 = arith.constant 0 : i32
      %cond3A_265 = arith.cmpi ne, %convert_element_type3A_263, %cond3A_264 : i32
      scf.if %cond3A_265 {
        %dma_wait3A_459 = arith.constant 3 : i32
        %dma_wait3A_460 = arith.constant 0 : i32
        %dma_wait3A_461 = arith.constant 0 : i32
        %dma_wait3A_462 = arith.constant 0 : i32
        %dma_wait3A_463 = tpu.memref_slice %arg7[%dma_wait3A_459, %dma_wait3A_461, %dma_wait3A_462] : memref<4x256x64xf32, #tpu.memory_space<vmem>> -> memref<1x128x64xf32, #tpu.memory_space<vmem>>
        %dma_wait3A_464 = tpu.memref_squeeze %dma_wait3A_463 : memref<1x128x64xf32, #tpu.memory_space<vmem>> -> memref<128x64xf32, #tpu.memory_space<vmem>>
        %dma_wait3A_465 = arith.constant 0 : i32
        %dma_wait3A_466 = tpu.memref_slice %arg6[%dma_wait3A_460, %dma_wait3A_465] : memref<157x128xi32, #tpu.memory_space<vmem>> -> memref<1x128xi32, #tpu.memory_space<vmem>>
        %dma_wait3A_467 = tpu.memref_squeeze %dma_wait3A_466 : memref<1x128xi32, #tpu.memory_space<vmem>> -> memref<128xi32, #tpu.memory_space<vmem>>
        %dma_wait3A_468 = arith.constant 0 : i32
        %dma_wait3A_469 = arith.constant 0 : i32
        %dma_wait3A_470 = tpu.memref_slice %arg16[%dma_wait3A_468, %dma_wait3A_469] : memref<10000x64xf32, #tpu.memory_space<vmem_shared>> -> memref<10000x64xf32, #tpu.memory_space<vmem_shared>>
        tpu.wait_indirect_dma semaphore(%arg15 : memref<!tpu.dma_semaphore, #tpu.memory_space<semaphore_mem>>) src(%dma_wait3A_464 : memref<128x64xf32, #tpu.memory_space<vmem>>) dst(%dma_wait3A_470 : memref<10000x64xf32, #tpu.memory_space<vmem_shared>>)
        %dma_wait3A_471 = arith.constant 3 : i32
        %dma_wait3A_472 = arith.constant 0 : i32
        %dma_wait3A_473 = arith.constant 0 : i32
        %dma_wait3A_474 = arith.constant 0 : i32
        %dma_wait3A_475 = tpu.memref_slice %arg7[%dma_wait3A_471, %dma_wait3A_473, %dma_wait3A_474] : memref<4x256x64xf32, #tpu.memory_space<vmem>> -> memref<1x128x64xf32, #tpu.memory_space<vmem>>
        %dma_wait3A_476 = tpu.memref_squeeze %dma_wait3A_475 : memref<1x128x64xf32, #tpu.memory_space<vmem>> -> memref<128x64xf32, #tpu.memory_space<vmem>>
        %dma_wait3A_477 = arith.constant 0 : i32
        %dma_wait3A_478 = tpu.memref_slice %arg6[%dma_wait3A_472, %dma_wait3A_477] : memref<157x128xi32, #tpu.memory_space<vmem>> -> memref<1x128xi32, #tpu.memory_space<vmem>>
        %dma_wait3A_479 = tpu.memref_squeeze %dma_wait3A_478 : memref<1x128xi32, #tpu.memory_space<vmem>> -> memref<128xi32, #tpu.memory_space<vmem>>
        %dma_wait3A_480 = arith.constant 0 : i32
        %dma_wait3A_481 = arith.constant 0 : i32
        %dma_wait3A_482 = tpu.memref_slice %arg16[%dma_wait3A_480, %dma_wait3A_481] : memref<10000x64xf32, #tpu.memory_space<vmem_shared>> -> memref<10000x64xf32, #tpu.memory_space<vmem_shared>>
        tpu.wait_indirect_dma semaphore(%arg15 : memref<!tpu.dma_semaphore, #tpu.memory_space<semaphore_mem>>) src(%dma_wait3A_476 : memref<128x64xf32, #tpu.memory_space<vmem>>) dst(%dma_wait3A_482 : memref<10000x64xf32, #tpu.memory_space<vmem_shared>>)
      } else {
      }
      %add3A_266 = arith.constant 3 : i32
      %add3A_267 = arith.addi %add3A_215, %add3A_266 : i32
      %lt3A_268 = arith.constant 78 : i32
      %lt3A_269 = arith.cmpi slt, %add3A_267, %lt3A_268 : i32
      %convert_element_type3A_270 = arith.extui %lt3A_269 : i1 to i32
      %cond3A_271 = arith.constant 0 : i32
      %cond3A_272 = arith.cmpi ne, %convert_element_type3A_270, %cond3A_271 : i32
      scf.if %cond3A_272 {
        %add3A_459 = arith.constant 3 : i32
        %add3A_460 = arith.addi %add3A_215, %add3A_459 : i32
        %mul3A_461 = arith.constant 2 : i32
        %mul3A_462 = arith.muli %add3A_460, %mul3A_461 : i32
        %add3A_463 = arith.addi %add3A, %mul3A_462 : i32
        %mul3A_464 = arith.constant 128 : i32
        %mul3A_465 = arith.muli %add3A_463, %mul3A_464 : i32
        %dma_start3A_466 = arith.constant 3 : i32
        %dma_start3A_467 = arith.constant 0 : i32
        %dma_start3A_468 = arith.constant 0 : i32
        %dma_start3A_469 = tpu.memref_slice %arg7[%dma_start3A_466, %dma_start3A_467, %dma_start3A_468] : memref<4x256x64xf32, #tpu.memory_space<vmem>> -> memref<1x256x64xf32, #tpu.memory_space<vmem>>
        %dma_start3A_470 = tpu.memref_squeeze %dma_start3A_469 : memref<1x256x64xf32, #tpu.memory_space<vmem>> -> memref<256x64xf32, #tpu.memory_space<vmem>>
        %dma_start3A_471 = tpu.memref_slice %arg2[%mul3A_465, %mul3A_0] : memref<320000x128xf32, #tpu.memory_space<hbm>> -> memref<256x64xf32, #tpu.memory_space<hbm>>
        %dma_start3A_472 = arith.constant 0 : i32
        %dma_start3A_473 = arith.constant 0 : i32
        %dma_start3A_474 = tpu.memref_slice %arg7[%dma_start3A_466, %dma_start3A_472, %dma_start3A_473] : memref<4x256x64xf32, #tpu.memory_space<vmem>> -> memref<1x256x64xf32, #tpu.memory_space<vmem>>
        %dma_start3A_475 = tpu.memref_squeeze %dma_start3A_474 : memref<1x256x64xf32, #tpu.memory_space<vmem>> -> memref<256x64xf32, #tpu.memory_space<vmem>>
        %dma_start3A_476 = tpu.memref_slice %arg2[%mul3A_465, %mul3A_0] : memref<320000x128xf32, #tpu.memory_space<hbm>> -> memref<256x64xf32, #tpu.memory_space<hbm>>
        tpu.enqueue_dma source(%dma_start3A_476 : memref<256x64xf32, #tpu.memory_space<hbm>>) target(%dma_start3A_475 : memref<256x64xf32, #tpu.memory_space<vmem>>) target_semaphore(%arg11 : memref<!tpu.dma_semaphore, #tpu.memory_space<semaphore_mem>>)
      } else {
      }
      %mul3A_273 = arith.constant 4 : i32
      %mul3A_274 = arith.muli %scan3A_211, %mul3A_273 : i32
      %add3A_275 = arith.constant 1 : i32
      %add3A_276 = arith.addi %mul3A_274, %add3A_275 : i32
      %mul3A_277 = arith.constant 2 : i32
      %mul3A_278 = arith.muli %add3A_276, %mul3A_277 : i32
      %add3A_279 = arith.addi %add3A, %mul3A_278 : i32
      %mul3A_280 = arith.constant 128 : i32
      %mul3A_281 = arith.muli %add3A_279, %mul3A_280 : i32
      %dma_wait3A_282 = arith.constant 1 : i32
      %dma_wait3A_283 = arith.constant 0 : i32
      %dma_wait3A_284 = arith.constant 0 : i32
      %dma_wait3A_285 = tpu.memref_slice %arg7[%dma_wait3A_282, %dma_wait3A_283, %dma_wait3A_284] : memref<4x256x64xf32, #tpu.memory_space<vmem>> -> memref<1x256x64xf32, #tpu.memory_space<vmem>>
      %dma_wait3A_286 = tpu.memref_squeeze %dma_wait3A_285 : memref<1x256x64xf32, #tpu.memory_space<vmem>> -> memref<256x64xf32, #tpu.memory_space<vmem>>
      %dma_wait3A_287 = tpu.memref_slice %arg2[%mul3A_281, %mul3A_0] : memref<320000x128xf32, #tpu.memory_space<hbm>> -> memref<256x64xf32, #tpu.memory_space<hbm>>
      %dma_wait3A_288 = arith.constant 0 : i32
      %dma_wait3A_289 = arith.constant 0 : i32
      %dma_wait3A_290 = tpu.memref_slice %arg7[%dma_wait3A_282, %dma_wait3A_288, %dma_wait3A_289] : memref<4x256x64xf32, #tpu.memory_space<vmem>> -> memref<1x256x64xf32, #tpu.memory_space<vmem>>
      %dma_wait3A_291 = tpu.memref_squeeze %dma_wait3A_290 : memref<1x256x64xf32, #tpu.memory_space<vmem>> -> memref<256x64xf32, #tpu.memory_space<vmem>>
      %dma_wait3A_292 = tpu.memref_slice %arg2[%mul3A_281, %mul3A_0] : memref<320000x128xf32, #tpu.memory_space<hbm>> -> memref<256x64xf32, #tpu.memory_space<hbm>>
      tpu.wait_dma2 semaphore(%arg9 : memref<!tpu.dma_semaphore, #tpu.memory_space<semaphore_mem>>) src(%dma_wait3A_292 : memref<256x64xf32, #tpu.memory_space<hbm>>) dst(%dma_wait3A_291 : memref<256x64xf32, #tpu.memory_space<vmem>>)
      %mul3A_293 = arith.constant 2 : i32
      %mul3A_294 = arith.muli %add3A_276, %mul3A_293 : i32
      %add3A_295 = arith.constant 0 : i32
      %add3A_296 = arith.addi %mul3A_294, %add3A_295 : i32
      %dma_start3A_297 = arith.constant 1 : i32
      %dma_start3A_298 = arith.constant 0 : i32
      %dma_start3A_299 = arith.constant 0 : i32
      %dma_start3A_300 = tpu.memref_slice %arg7[%dma_start3A_297, %dma_start3A_298, %dma_start3A_299] : memref<4x256x64xf32, #tpu.memory_space<vmem>> -> memref<1x128x64xf32, #tpu.memory_space<vmem>>
      %dma_start3A_301 = tpu.memref_squeeze %dma_start3A_300 : memref<1x128x64xf32, #tpu.memory_space<vmem>> -> memref<128x64xf32, #tpu.memory_space<vmem>>
      %dma_start3A_302 = arith.constant 0 : i32
      %dma_start3A_303 = tpu.memref_slice %arg6[%add3A_296, %dma_start3A_302] : memref<157x128xi32, #tpu.memory_space<vmem>> -> memref<1x128xi32, #tpu.memory_space<vmem>>
      %dma_start3A_304 = tpu.memref_squeeze %dma_start3A_303 : memref<1x128xi32, #tpu.memory_space<vmem>> -> memref<128xi32, #tpu.memory_space<vmem>>
      %dma_start3A_305 = arith.constant 0 : i32
      %dma_start3A_306 = arith.constant 0 : i32
      %dma_start3A_307 = tpu.memref_slice %arg16[%dma_start3A_305, %dma_start3A_306] : memref<10000x64xf32, #tpu.memory_space<vmem_shared>> -> memref<10000x64xf32, #tpu.memory_space<vmem_shared>>
      tpu.enqueue_indirect_dma source(%dma_start3A_301 : memref<128x64xf32, #tpu.memory_space<vmem>>) target(%dma_start3A_307 : memref<10000x64xf32, #tpu.memory_space<vmem_shared>>) offsets(%dma_start3A_304 : memref<128xi32, #tpu.memory_space<vmem>>) semaphore(%arg13 : memref<!tpu.dma_semaphore, #tpu.memory_space<semaphore_mem>>) {add = true}
      %mul3A_308 = arith.constant 2 : i32
      %mul3A_309 = arith.muli %add3A_276, %mul3A_308 : i32
      %add3A_310 = arith.constant 1 : i32
      %add3A_311 = arith.addi %mul3A_309, %add3A_310 : i32
      %dma_start3A_312 = arith.constant 1 : i32
      %dma_start3A_313 = arith.constant 128 : i32
      %dma_start3A_314 = arith.constant 0 : i32
      %dma_start3A_315 = tpu.memref_slice %arg7[%dma_start3A_312, %dma_start3A_313, %dma_start3A_314] : memref<4x256x64xf32, #tpu.memory_space<vmem>> -> memref<1x128x64xf32, #tpu.memory_space<vmem>>
      %dma_start3A_316 = tpu.memref_squeeze %dma_start3A_315 : memref<1x128x64xf32, #tpu.memory_space<vmem>> -> memref<128x64xf32, #tpu.memory_space<vmem>>
      %dma_start3A_317 = arith.constant 0 : i32
      %dma_start3A_318 = tpu.memref_slice %arg6[%add3A_311, %dma_start3A_317] : memref<157x128xi32, #tpu.memory_space<vmem>> -> memref<1x128xi32, #tpu.memory_space<vmem>>
      %dma_start3A_319 = tpu.memref_squeeze %dma_start3A_318 : memref<1x128xi32, #tpu.memory_space<vmem>> -> memref<128xi32, #tpu.memory_space<vmem>>
      %dma_start3A_320 = arith.constant 0 : i32
      %dma_start3A_321 = arith.constant 0 : i32
      %dma_start3A_322 = tpu.memref_slice %arg16[%dma_start3A_320, %dma_start3A_321] : memref<10000x64xf32, #tpu.memory_space<vmem_shared>> -> memref<10000x64xf32, #tpu.memory_space<vmem_shared>>
      tpu.enqueue_indirect_dma source(%dma_start3A_316 : memref<128x64xf32, #tpu.memory_space<vmem>>) target(%dma_start3A_322 : memref<10000x64xf32, #tpu.memory_space<vmem_shared>>) offsets(%dma_start3A_319 : memref<128xi32, #tpu.memory_space<vmem>>) semaphore(%arg13 : memref<!tpu.dma_semaphore, #tpu.memory_space<semaphore_mem>>) {add = true}
      %ge3A_323 = arith.constant 1 : i32
      %ge3A_324 = arith.cmpi sge, %add3A_276, %ge3A_323 : i32
      %convert_element_type3A_325 = arith.extui %ge3A_324 : i1 to i32
      %cond3A_326 = arith.constant 0 : i32
      %cond3A_327 = arith.cmpi ne, %convert_element_type3A_325, %cond3A_326 : i32
      scf.if %cond3A_327 {
        %dma_wait3A_459 = arith.constant 0 : i32
        %dma_wait3A_460 = arith.constant 0 : i32
        %dma_wait3A_461 = arith.constant 0 : i32
        %dma_wait3A_462 = arith.constant 0 : i32
        %dma_wait3A_463 = tpu.memref_slice %arg7[%dma_wait3A_459, %dma_wait3A_461, %dma_wait3A_462] : memref<4x256x64xf32, #tpu.memory_space<vmem>> -> memref<1x128x64xf32, #tpu.memory_space<vmem>>
        %dma_wait3A_464 = tpu.memref_squeeze %dma_wait3A_463 : memref<1x128x64xf32, #tpu.memory_space<vmem>> -> memref<128x64xf32, #tpu.memory_space<vmem>>
        %dma_wait3A_465 = arith.constant 0 : i32
        %dma_wait3A_466 = tpu.memref_slice %arg6[%dma_wait3A_460, %dma_wait3A_465] : memref<157x128xi32, #tpu.memory_space<vmem>> -> memref<1x128xi32, #tpu.memory_space<vmem>>
        %dma_wait3A_467 = tpu.memref_squeeze %dma_wait3A_466 : memref<1x128xi32, #tpu.memory_space<vmem>> -> memref<128xi32, #tpu.memory_space<vmem>>
        %dma_wait3A_468 = arith.constant 0 : i32
        %dma_wait3A_469 = arith.constant 0 : i32
        %dma_wait3A_470 = tpu.memref_slice %arg16[%dma_wait3A_468, %dma_wait3A_469] : memref<10000x64xf32, #tpu.memory_space<vmem_shared>> -> memref<10000x64xf32, #tpu.memory_space<vmem_shared>>
        tpu.wait_indirect_dma semaphore(%arg12 : memref<!tpu.dma_semaphore, #tpu.memory_space<semaphore_mem>>) src(%dma_wait3A_464 : memref<128x64xf32, #tpu.memory_space<vmem>>) dst(%dma_wait3A_470 : memref<10000x64xf32, #tpu.memory_space<vmem_shared>>)
        %dma_wait3A_471 = arith.constant 0 : i32
        %dma_wait3A_472 = arith.constant 0 : i32
        %dma_wait3A_473 = arith.constant 0 : i32
        %dma_wait3A_474 = arith.constant 0 : i32
        %dma_wait3A_475 = tpu.memref_slice %arg7[%dma_wait3A_471, %dma_wait3A_473, %dma_wait3A_474] : memref<4x256x64xf32, #tpu.memory_space<vmem>> -> memref<1x128x64xf32, #tpu.memory_space<vmem>>
        %dma_wait3A_476 = tpu.memref_squeeze %dma_wait3A_475 : memref<1x128x64xf32, #tpu.memory_space<vmem>> -> memref<128x64xf32, #tpu.memory_space<vmem>>
        %dma_wait3A_477 = arith.constant 0 : i32
        %dma_wait3A_478 = tpu.memref_slice %arg6[%dma_wait3A_472, %dma_wait3A_477] : memref<157x128xi32, #tpu.memory_space<vmem>> -> memref<1x128xi32, #tpu.memory_space<vmem>>
        %dma_wait3A_479 = tpu.memref_squeeze %dma_wait3A_478 : memref<1x128xi32, #tpu.memory_space<vmem>> -> memref<128xi32, #tpu.memory_space<vmem>>
        %dma_wait3A_480 = arith.constant 0 : i32
        %dma_wait3A_481 = arith.constant 0 : i32
        %dma_wait3A_482 = tpu.memref_slice %arg16[%dma_wait3A_480, %dma_wait3A_481] : memref<10000x64xf32, #tpu.memory_space<vmem_shared>> -> memref<10000x64xf32, #tpu.memory_space<vmem_shared>>
        tpu.wait_indirect_dma semaphore(%arg12 : memref<!tpu.dma_semaphore, #tpu.memory_space<semaphore_mem>>) src(%dma_wait3A_476 : memref<128x64xf32, #tpu.memory_space<vmem>>) dst(%dma_wait3A_482 : memref<10000x64xf32, #tpu.memory_space<vmem_shared>>)
      } else {
      }
      %add3A_328 = arith.constant 3 : i32
      %add3A_329 = arith.addi %add3A_276, %add3A_328 : i32
      %lt3A_330 = arith.constant 78 : i32
      %lt3A_331 = arith.cmpi slt, %add3A_329, %lt3A_330 : i32
      %convert_element_type3A_332 = arith.extui %lt3A_331 : i1 to i32
      %cond3A_333 = arith.constant 0 : i32
      %cond3A_334 = arith.cmpi ne, %convert_element_type3A_332, %cond3A_333 : i32
      scf.if %cond3A_334 {
        %add3A_459 = arith.constant 3 : i32
        %add3A_460 = arith.addi %add3A_276, %add3A_459 : i32
        %mul3A_461 = arith.constant 2 : i32
        %mul3A_462 = arith.muli %add3A_460, %mul3A_461 : i32
        %add3A_463 = arith.addi %add3A, %mul3A_462 : i32
        %mul3A_464 = arith.constant 128 : i32
        %mul3A_465 = arith.muli %add3A_463, %mul3A_464 : i32
        %dma_start3A_466 = arith.constant 0 : i32
        %dma_start3A_467 = arith.constant 0 : i32
        %dma_start3A_468 = arith.constant 0 : i32
        %dma_start3A_469 = tpu.memref_slice %arg7[%dma_start3A_466, %dma_start3A_467, %dma_start3A_468] : memref<4x256x64xf32, #tpu.memory_space<vmem>> -> memref<1x256x64xf32, #tpu.memory_space<vmem>>
        %dma_start3A_470 = tpu.memref_squeeze %dma_start3A_469 : memref<1x256x64xf32, #tpu.memory_space<vmem>> -> memref<256x64xf32, #tpu.memory_space<vmem>>
        %dma_start3A_471 = tpu.memref_slice %arg2[%mul3A_465, %mul3A_0] : memref<320000x128xf32, #tpu.memory_space<hbm>> -> memref<256x64xf32, #tpu.memory_space<hbm>>
        %dma_start3A_472 = arith.constant 0 : i32
        %dma_start3A_473 = arith.constant 0 : i32
        %dma_start3A_474 = tpu.memref_slice %arg7[%dma_start3A_466, %dma_start3A_472, %dma_start3A_473] : memref<4x256x64xf32, #tpu.memory_space<vmem>> -> memref<1x256x64xf32, #tpu.memory_space<vmem>>
        %dma_start3A_475 = tpu.memref_squeeze %dma_start3A_474 : memref<1x256x64xf32, #tpu.memory_space<vmem>> -> memref<256x64xf32, #tpu.memory_space<vmem>>
        %dma_start3A_476 = tpu.memref_slice %arg2[%mul3A_465, %mul3A_0] : memref<320000x128xf32, #tpu.memory_space<hbm>> -> memref<256x64xf32, #tpu.memory_space<hbm>>
        tpu.enqueue_dma source(%dma_start3A_476 : memref<256x64xf32, #tpu.memory_space<hbm>>) target(%dma_start3A_475 : memref<256x64xf32, #tpu.memory_space<vmem>>) target_semaphore(%arg8 : memref<!tpu.dma_semaphore, #tpu.memory_space<semaphore_mem>>)
      } else {
      }
      %mul3A_335 = arith.constant 4 : i32
      %mul3A_336 = arith.muli %scan3A_211, %mul3A_335 : i32
      %add3A_337 = arith.constant 2 : i32
      %add3A_338 = arith.addi %mul3A_336, %add3A_337 : i32
      %mul3A_339 = arith.constant 2 : i32
      %mul3A_340 = arith.muli %add3A_338, %mul3A_339 : i32
      %add3A_341 = arith.addi %add3A, %mul3A_340 : i32
      %mul3A_342 = arith.constant 128 : i32
      %mul3A_343 = arith.muli %add3A_341, %mul3A_342 : i32
      %dma_wait3A_344 = arith.constant 2 : i32
      %dma_wait3A_345 = arith.constant 0 : i32
      %dma_wait3A_346 = arith.constant 0 : i32
      %dma_wait3A_347 = tpu.memref_slice %arg7[%dma_wait3A_344, %dma_wait3A_345, %dma_wait3A_346] : memref<4x256x64xf32, #tpu.memory_space<vmem>> -> memref<1x256x64xf32, #tpu.memory_space<vmem>>
      %dma_wait3A_348 = tpu.memref_squeeze %dma_wait3A_347 : memref<1x256x64xf32, #tpu.memory_space<vmem>> -> memref<256x64xf32, #tpu.memory_space<vmem>>
      %dma_wait3A_349 = tpu.memref_slice %arg2[%mul3A_343, %mul3A_0] : memref<320000x128xf32, #tpu.memory_space<hbm>> -> memref<256x64xf32, #tpu.memory_space<hbm>>
      %dma_wait3A_350 = arith.constant 0 : i32
      %dma_wait3A_351 = arith.constant 0 : i32
      %dma_wait3A_352 = tpu.memref_slice %arg7[%dma_wait3A_344, %dma_wait3A_350, %dma_wait3A_351] : memref<4x256x64xf32, #tpu.memory_space<vmem>> -> memref<1x256x64xf32, #tpu.memory_space<vmem>>
      %dma_wait3A_353 = tpu.memref_squeeze %dma_wait3A_352 : memref<1x256x64xf32, #tpu.memory_space<vmem>> -> memref<256x64xf32, #tpu.memory_space<vmem>>
      %dma_wait3A_354 = tpu.memref_slice %arg2[%mul3A_343, %mul3A_0] : memref<320000x128xf32, #tpu.memory_space<hbm>> -> memref<256x64xf32, #tpu.memory_space<hbm>>
      tpu.wait_dma2 semaphore(%arg10 : memref<!tpu.dma_semaphore, #tpu.memory_space<semaphore_mem>>) src(%dma_wait3A_354 : memref<256x64xf32, #tpu.memory_space<hbm>>) dst(%dma_wait3A_353 : memref<256x64xf32, #tpu.memory_space<vmem>>)
      %mul3A_355 = arith.constant 2 : i32
      %mul3A_356 = arith.muli %add3A_338, %mul3A_355 : i32
      %add3A_357 = arith.constant 0 : i32
      %add3A_358 = arith.addi %mul3A_356, %add3A_357 : i32
      %dma_start3A_359 = arith.constant 2 : i32
      %dma_start3A_360 = arith.constant 0 : i32
      %dma_start3A_361 = arith.constant 0 : i32
      %dma_start3A_362 = tpu.memref_slice %arg7[%dma_start3A_359, %dma_start3A_360, %dma_start3A_361] : memref<4x256x64xf32, #tpu.memory_space<vmem>> -> memref<1x128x64xf32, #tpu.memory_space<vmem>>
      %dma_start3A_363 = tpu.memref_squeeze %dma_start3A_362 : memref<1x128x64xf32, #tpu.memory_space<vmem>> -> memref<128x64xf32, #tpu.memory_space<vmem>>
      %dma_start3A_364 = arith.constant 0 : i32
      %dma_start3A_365 = tpu.memref_slice %arg6[%add3A_358, %dma_start3A_364] : memref<157x128xi32, #tpu.memory_space<vmem>> -> memref<1x128xi32, #tpu.memory_space<vmem>>
      %dma_start3A_366 = tpu.memref_squeeze %dma_start3A_365 : memref<1x128xi32, #tpu.memory_space<vmem>> -> memref<128xi32, #tpu.memory_space<vmem>>
      %dma_start3A_367 = arith.constant 0 : i32
      %dma_start3A_368 = arith.constant 0 : i32
      %dma_start3A_369 = tpu.memref_slice %arg16[%dma_start3A_367, %dma_start3A_368] : memref<10000x64xf32, #tpu.memory_space<vmem_shared>> -> memref<10000x64xf32, #tpu.memory_space<vmem_shared>>
      tpu.enqueue_indirect_dma source(%dma_start3A_363 : memref<128x64xf32, #tpu.memory_space<vmem>>) target(%dma_start3A_369 : memref<10000x64xf32, #tpu.memory_space<vmem_shared>>) offsets(%dma_start3A_366 : memref<128xi32, #tpu.memory_space<vmem>>) semaphore(%arg14 : memref<!tpu.dma_semaphore, #tpu.memory_space<semaphore_mem>>) {add = true}
      %mul3A_370 = arith.constant 2 : i32
      %mul3A_371 = arith.muli %add3A_338, %mul3A_370 : i32
      %add3A_372 = arith.constant 1 : i32
      %add3A_373 = arith.addi %mul3A_371, %add3A_372 : i32
      %dma_start3A_374 = arith.constant 2 : i32
      %dma_start3A_375 = arith.constant 128 : i32
      %dma_start3A_376 = arith.constant 0 : i32
      %dma_start3A_377 = tpu.memref_slice %arg7[%dma_start3A_374, %dma_start3A_375, %dma_start3A_376] : memref<4x256x64xf32, #tpu.memory_space<vmem>> -> memref<1x128x64xf32, #tpu.memory_space<vmem>>
      %dma_start3A_378 = tpu.memref_squeeze %dma_start3A_377 : memref<1x128x64xf32, #tpu.memory_space<vmem>> -> memref<128x64xf32, #tpu.memory_space<vmem>>
      %dma_start3A_379 = arith.constant 0 : i32
      %dma_start3A_380 = tpu.memref_slice %arg6[%add3A_373, %dma_start3A_379] : memref<157x128xi32, #tpu.memory_space<vmem>> -> memref<1x128xi32, #tpu.memory_space<vmem>>
      %dma_start3A_381 = tpu.memref_squeeze %dma_start3A_380 : memref<1x128xi32, #tpu.memory_space<vmem>> -> memref<128xi32, #tpu.memory_space<vmem>>
      %dma_start3A_382 = arith.constant 0 : i32
      %dma_start3A_383 = arith.constant 0 : i32
      %dma_start3A_384 = tpu.memref_slice %arg16[%dma_start3A_382, %dma_start3A_383] : memref<10000x64xf32, #tpu.memory_space<vmem_shared>> -> memref<10000x64xf32, #tpu.memory_space<vmem_shared>>
      tpu.enqueue_indirect_dma source(%dma_start3A_378 : memref<128x64xf32, #tpu.memory_space<vmem>>) target(%dma_start3A_384 : memref<10000x64xf32, #tpu.memory_space<vmem_shared>>) offsets(%dma_start3A_381 : memref<128xi32, #tpu.memory_space<vmem>>) semaphore(%arg14 : memref<!tpu.dma_semaphore, #tpu.memory_space<semaphore_mem>>) {add = true}
      %ge3A_385 = arith.constant 1 : i32
      %ge3A_386 = arith.cmpi sge, %add3A_338, %ge3A_385 : i32
      %convert_element_type3A_387 = arith.extui %ge3A_386 : i1 to i32
      %cond3A_388 = arith.constant 0 : i32
      %cond3A_389 = arith.cmpi ne, %convert_element_type3A_387, %cond3A_388 : i32
      scf.if %cond3A_389 {
        %dma_wait3A_459 = arith.constant 1 : i32
        %dma_wait3A_460 = arith.constant 0 : i32
        %dma_wait3A_461 = arith.constant 0 : i32
        %dma_wait3A_462 = arith.constant 0 : i32
        %dma_wait3A_463 = tpu.memref_slice %arg7[%dma_wait3A_459, %dma_wait3A_461, %dma_wait3A_462] : memref<4x256x64xf32, #tpu.memory_space<vmem>> -> memref<1x128x64xf32, #tpu.memory_space<vmem>>
        %dma_wait3A_464 = tpu.memref_squeeze %dma_wait3A_463 : memref<1x128x64xf32, #tpu.memory_space<vmem>> -> memref<128x64xf32, #tpu.memory_space<vmem>>
        %dma_wait3A_465 = arith.constant 0 : i32
        %dma_wait3A_466 = tpu.memref_slice %arg6[%dma_wait3A_460, %dma_wait3A_465] : memref<157x128xi32, #tpu.memory_space<vmem>> -> memref<1x128xi32, #tpu.memory_space<vmem>>
        %dma_wait3A_467 = tpu.memref_squeeze %dma_wait3A_466 : memref<1x128xi32, #tpu.memory_space<vmem>> -> memref<128xi32, #tpu.memory_space<vmem>>
        %dma_wait3A_468 = arith.constant 0 : i32
        %dma_wait3A_469 = arith.constant 0 : i32
        %dma_wait3A_470 = tpu.memref_slice %arg16[%dma_wait3A_468, %dma_wait3A_469] : memref<10000x64xf32, #tpu.memory_space<vmem_shared>> -> memref<10000x64xf32, #tpu.memory_space<vmem_shared>>
        tpu.wait_indirect_dma semaphore(%arg13 : memref<!tpu.dma_semaphore, #tpu.memory_space<semaphore_mem>>) src(%dma_wait3A_464 : memref<128x64xf32, #tpu.memory_space<vmem>>) dst(%dma_wait3A_470 : memref<10000x64xf32, #tpu.memory_space<vmem_shared>>)
        %dma_wait3A_471 = arith.constant 1 : i32
        %dma_wait3A_472 = arith.constant 0 : i32
        %dma_wait3A_473 = arith.constant 0 : i32
        %dma_wait3A_474 = arith.constant 0 : i32
        %dma_wait3A_475 = tpu.memref_slice %arg7[%dma_wait3A_471, %dma_wait3A_473, %dma_wait3A_474] : memref<4x256x64xf32, #tpu.memory_space<vmem>> -> memref<1x128x64xf32, #tpu.memory_space<vmem>>
        %dma_wait3A_476 = tpu.memref_squeeze %dma_wait3A_475 : memref<1x128x64xf32, #tpu.memory_space<vmem>> -> memref<128x64xf32, #tpu.memory_space<vmem>>
        %dma_wait3A_477 = arith.constant 0 : i32
        %dma_wait3A_478 = tpu.memref_slice %arg6[%dma_wait3A_472, %dma_wait3A_477] : memref<157x128xi32, #tpu.memory_space<vmem>> -> memref<1x128xi32, #tpu.memory_space<vmem>>
        %dma_wait3A_479 = tpu.memref_squeeze %dma_wait3A_478 : memref<1x128xi32, #tpu.memory_space<vmem>> -> memref<128xi32, #tpu.memory_space<vmem>>
        %dma_wait3A_480 = arith.constant 0 : i32
        %dma_wait3A_481 = arith.constant 0 : i32
        %dma_wait3A_482 = tpu.memref_slice %arg16[%dma_wait3A_480, %dma_wait3A_481] : memref<10000x64xf32, #tpu.memory_space<vmem_shared>> -> memref<10000x64xf32, #tpu.memory_space<vmem_shared>>
        tpu.wait_indirect_dma semaphore(%arg13 : memref<!tpu.dma_semaphore, #tpu.memory_space<semaphore_mem>>) src(%dma_wait3A_476 : memref<128x64xf32, #tpu.memory_space<vmem>>) dst(%dma_wait3A_482 : memref<10000x64xf32, #tpu.memory_space<vmem_shared>>)
      } else {
      }
      %add3A_390 = arith.constant 3 : i32
      %add3A_391 = arith.addi %add3A_338, %add3A_390 : i32
      %lt3A_392 = arith.constant 78 : i32
      %lt3A_393 = arith.cmpi slt, %add3A_391, %lt3A_392 : i32
      %convert_element_type3A_394 = arith.extui %lt3A_393 : i1 to i32
      %cond3A_395 = arith.constant 0 : i32
      %cond3A_396 = arith.cmpi ne, %convert_element_type3A_394, %cond3A_395 : i32
      scf.if %cond3A_396 {
        %add3A_459 = arith.constant 3 : i32
        %add3A_460 = arith.addi %add3A_338, %add3A_459 : i32
        %mul3A_461 = arith.constant 2 : i32
        %mul3A_462 = arith.muli %add3A_460, %mul3A_461 : i32
        %add3A_463 = arith.addi %add3A, %mul3A_462 : i32
        %mul3A_464 = arith.constant 128 : i32
        %mul3A_465 = arith.muli %add3A_463, %mul3A_464 : i32
        %dma_start3A_466 = arith.constant 1 : i32
        %dma_start3A_467 = arith.constant 0 : i32
        %dma_start3A_468 = arith.constant 0 : i32
        %dma_start3A_469 = tpu.memref_slice %arg7[%dma_start3A_466, %dma_start3A_467, %dma_start3A_468] : memref<4x256x64xf32, #tpu.memory_space<vmem>> -> memref<1x256x64xf32, #tpu.memory_space<vmem>>
        %dma_start3A_470 = tpu.memref_squeeze %dma_start3A_469 : memref<1x256x64xf32, #tpu.memory_space<vmem>> -> memref<256x64xf32, #tpu.memory_space<vmem>>
        %dma_start3A_471 = tpu.memref_slice %arg2[%mul3A_465, %mul3A_0] : memref<320000x128xf32, #tpu.memory_space<hbm>> -> memref<256x64xf32, #tpu.memory_space<hbm>>
        %dma_start3A_472 = arith.constant 0 : i32
        %dma_start3A_473 = arith.constant 0 : i32
        %dma_start3A_474 = tpu.memref_slice %arg7[%dma_start3A_466, %dma_start3A_472, %dma_start3A_473] : memref<4x256x64xf32, #tpu.memory_space<vmem>> -> memref<1x256x64xf32, #tpu.memory_space<vmem>>
        %dma_start3A_475 = tpu.memref_squeeze %dma_start3A_474 : memref<1x256x64xf32, #tpu.memory_space<vmem>> -> memref<256x64xf32, #tpu.memory_space<vmem>>
        %dma_start3A_476 = tpu.memref_slice %arg2[%mul3A_465, %mul3A_0] : memref<320000x128xf32, #tpu.memory_space<hbm>> -> memref<256x64xf32, #tpu.memory_space<hbm>>
        tpu.enqueue_dma source(%dma_start3A_476 : memref<256x64xf32, #tpu.memory_space<hbm>>) target(%dma_start3A_475 : memref<256x64xf32, #tpu.memory_space<vmem>>) target_semaphore(%arg9 : memref<!tpu.dma_semaphore, #tpu.memory_space<semaphore_mem>>)
      } else {
      }
      %mul3A_397 = arith.constant 4 : i32
      %mul3A_398 = arith.muli %scan3A_211, %mul3A_397 : i32
      %add3A_399 = arith.constant 3 : i32
      %add3A_400 = arith.addi %mul3A_398, %add3A_399 : i32
      %mul3A_401 = arith.constant 2 : i32
      %mul3A_402 = arith.muli %add3A_400, %mul3A_401 : i32
      %add3A_403 = arith.addi %add3A, %mul3A_402 : i32
      %mul3A_404 = arith.constant 128 : i32
      %mul3A_405 = arith.muli %add3A_403, %mul3A_404 : i32
      %dma_wait3A_406 = arith.constant 3 : i32
      %dma_wait3A_407 = arith.constant 0 : i32
      %dma_wait3A_408 = arith.constant 0 : i32
      %dma_wait3A_409 = tpu.memref_slice %arg7[%dma_wait3A_406, %dma_wait3A_407, %dma_wait3A_408] : memref<4x256x64xf32, #tpu.memory_space<vmem>> -> memref<1x256x64xf32, #tpu.memory_space<vmem>>
      %dma_wait3A_410 = tpu.memref_squeeze %dma_wait3A_409 : memref<1x256x64xf32, #tpu.memory_space<vmem>> -> memref<256x64xf32, #tpu.memory_space<vmem>>
      %dma_wait3A_411 = tpu.memref_slice %arg2[%mul3A_405, %mul3A_0] : memref<320000x128xf32, #tpu.memory_space<hbm>> -> memref<256x64xf32, #tpu.memory_space<hbm>>
      %dma_wait3A_412 = arith.constant 0 : i32
      %dma_wait3A_413 = arith.constant 0 : i32
      %dma_wait3A_414 = tpu.memref_slice %arg7[%dma_wait3A_406, %dma_wait3A_412, %dma_wait3A_413] : memref<4x256x64xf32, #tpu.memory_space<vmem>> -> memref<1x256x64xf32, #tpu.memory_space<vmem>>
      %dma_wait3A_415 = tpu.memref_squeeze %dma_wait3A_414 : memref<1x256x64xf32, #tpu.memory_space<vmem>> -> memref<256x64xf32, #tpu.memory_space<vmem>>
      %dma_wait3A_416 = tpu.memref_slice %arg2[%mul3A_405, %mul3A_0] : memref<320000x128xf32, #tpu.memory_space<hbm>> -> memref<256x64xf32, #tpu.memory_space<hbm>>
      tpu.wait_dma2 semaphore(%arg11 : memref<!tpu.dma_semaphore, #tpu.memory_space<semaphore_mem>>) src(%dma_wait3A_416 : memref<256x64xf32, #tpu.memory_space<hbm>>) dst(%dma_wait3A_415 : memref<256x64xf32, #tpu.memory_space<vmem>>)
      %mul3A_417 = arith.constant 2 : i32
      %mul3A_418 = arith.muli %add3A_400, %mul3A_417 : i32
      %add3A_419 = arith.constant 0 : i32
      %add3A_420 = arith.addi %mul3A_418, %add3A_419 : i32
      %dma_start3A_421 = arith.constant 3 : i32
      %dma_start3A_422 = arith.constant 0 : i32
      %dma_start3A_423 = arith.constant 0 : i32
      %dma_start3A_424 = tpu.memref_slice %arg7[%dma_start3A_421, %dma_start3A_422, %dma_start3A_423] : memref<4x256x64xf32, #tpu.memory_space<vmem>> -> memref<1x128x64xf32, #tpu.memory_space<vmem>>
      %dma_start3A_425 = tpu.memref_squeeze %dma_start3A_424 : memref<1x128x64xf32, #tpu.memory_space<vmem>> -> memref<128x64xf32, #tpu.memory_space<vmem>>
      %dma_start3A_426 = arith.constant 0 : i32
      %dma_start3A_427 = tpu.memref_slice %arg6[%add3A_420, %dma_start3A_426] : memref<157x128xi32, #tpu.memory_space<vmem>> -> memref<1x128xi32, #tpu.memory_space<vmem>>
      %dma_start3A_428 = tpu.memref_squeeze %dma_start3A_427 : memref<1x128xi32, #tpu.memory_space<vmem>> -> memref<128xi32, #tpu.memory_space<vmem>>
      %dma_start3A_429 = arith.constant 0 : i32
      %dma_start3A_430 = arith.constant 0 : i32
      %dma_start3A_431 = tpu.memref_slice %arg16[%dma_start3A_429, %dma_start3A_430] : memref<10000x64xf32, #tpu.memory_space<vmem_shared>> -> memref<10000x64xf32, #tpu.memory_space<vmem_shared>>
      tpu.enqueue_indirect_dma source(%dma_start3A_425 : memref<128x64xf32, #tpu.memory_space<vmem>>) target(%dma_start3A_431 : memref<10000x64xf32, #tpu.memory_space<vmem_shared>>) offsets(%dma_start3A_428 : memref<128xi32, #tpu.memory_space<vmem>>) semaphore(%arg15 : memref<!tpu.dma_semaphore, #tpu.memory_space<semaphore_mem>>) {add = true}
      %mul3A_432 = arith.constant 2 : i32
      %mul3A_433 = arith.muli %add3A_400, %mul3A_432 : i32
      %add3A_434 = arith.constant 1 : i32
      %add3A_435 = arith.addi %mul3A_433, %add3A_434 : i32
      %dma_start3A_436 = arith.constant 3 : i32
      %dma_start3A_437 = arith.constant 128 : i32
      %dma_start3A_438 = arith.constant 0 : i32
      %dma_start3A_439 = tpu.memref_slice %arg7[%dma_start3A_436, %dma_start3A_437, %dma_start3A_438] : memref<4x256x64xf32, #tpu.memory_space<vmem>> -> memref<1x128x64xf32, #tpu.memory_space<vmem>>
      %dma_start3A_440 = tpu.memref_squeeze %dma_start3A_439 : memref<1x128x64xf32, #tpu.memory_space<vmem>> -> memref<128x64xf32, #tpu.memory_space<vmem>>
      %dma_start3A_441 = arith.constant 0 : i32
      %dma_start3A_442 = tpu.memref_slice %arg6[%add3A_435, %dma_start3A_441] : memref<157x128xi32, #tpu.memory_space<vmem>> -> memref<1x128xi32, #tpu.memory_space<vmem>>
      %dma_start3A_443 = tpu.memref_squeeze %dma_start3A_442 : memref<1x128xi32, #tpu.memory_space<vmem>> -> memref<128xi32, #tpu.memory_space<vmem>>
      %dma_start3A_444 = arith.constant 0 : i32
      %dma_start3A_445 = arith.constant 0 : i32
      %dma_start3A_446 = tpu.memref_slice %arg16[%dma_start3A_444, %dma_start3A_445] : memref<10000x64xf32, #tpu.memory_space<vmem_shared>> -> memref<10000x64xf32, #tpu.memory_space<vmem_shared>>
      tpu.enqueue_indirect_dma source(%dma_start3A_440 : memref<128x64xf32, #tpu.memory_space<vmem>>) target(%dma_start3A_446 : memref<10000x64xf32, #tpu.memory_space<vmem_shared>>) offsets(%dma_start3A_443 : memref<128xi32, #tpu.memory_space<vmem>>) semaphore(%arg15 : memref<!tpu.dma_semaphore, #tpu.memory_space<semaphore_mem>>) {add = true}
      %ge3A_447 = arith.constant 1 : i32
      %ge3A_448 = arith.cmpi sge, %add3A_400, %ge3A_447 : i32
      %convert_element_type3A_449 = arith.extui %ge3A_448 : i1 to i32
      %cond3A_450 = arith.constant 0 : i32
      %cond3A_451 = arith.cmpi ne, %convert_element_type3A_449, %cond3A_450 : i32
      scf.if %cond3A_451 {
        %dma_wait3A_459 = arith.constant 2 : i32
        %dma_wait3A_460 = arith.constant 0 : i32
        %dma_wait3A_461 = arith.constant 0 : i32
        %dma_wait3A_462 = arith.constant 0 : i32
        %dma_wait3A_463 = tpu.memref_slice %arg7[%dma_wait3A_459, %dma_wait3A_461, %dma_wait3A_462] : memref<4x256x64xf32, #tpu.memory_space<vmem>> -> memref<1x128x64xf32, #tpu.memory_space<vmem>>
        %dma_wait3A_464 = tpu.memref_squeeze %dma_wait3A_463 : memref<1x128x64xf32, #tpu.memory_space<vmem>> -> memref<128x64xf32, #tpu.memory_space<vmem>>
        %dma_wait3A_465 = arith.constant 0 : i32
        %dma_wait3A_466 = tpu.memref_slice %arg6[%dma_wait3A_460, %dma_wait3A_465] : memref<157x128xi32, #tpu.memory_space<vmem>> -> memref<1x128xi32, #tpu.memory_space<vmem>>
        %dma_wait3A_467 = tpu.memref_squeeze %dma_wait3A_466 : memref<1x128xi32, #tpu.memory_space<vmem>> -> memref<128xi32, #tpu.memory_space<vmem>>
        %dma_wait3A_468 = arith.constant 0 : i32
        %dma_wait3A_469 = arith.constant 0 : i32
        %dma_wait3A_470 = tpu.memref_slice %arg16[%dma_wait3A_468, %dma_wait3A_469] : memref<10000x64xf32, #tpu.memory_space<vmem_shared>> -> memref<10000x64xf32, #tpu.memory_space<vmem_shared>>
        tpu.wait_indirect_dma semaphore(%arg14 : memref<!tpu.dma_semaphore, #tpu.memory_space<semaphore_mem>>) src(%dma_wait3A_464 : memref<128x64xf32, #tpu.memory_space<vmem>>) dst(%dma_wait3A_470 : memref<10000x64xf32, #tpu.memory_space<vmem_shared>>)
        %dma_wait3A_471 = arith.constant 2 : i32
        %dma_wait3A_472 = arith.constant 0 : i32
        %dma_wait3A_473 = arith.constant 0 : i32
        %dma_wait3A_474 = arith.constant 0 : i32
        %dma_wait3A_475 = tpu.memref_slice %arg7[%dma_wait3A_471, %dma_wait3A_473, %dma_wait3A_474] : memref<4x256x64xf32, #tpu.memory_space<vmem>> -> memref<1x128x64xf32, #tpu.memory_space<vmem>>
        %dma_wait3A_476 = tpu.memref_squeeze %dma_wait3A_475 : memref<1x128x64xf32, #tpu.memory_space<vmem>> -> memref<128x64xf32, #tpu.memory_space<vmem>>
        %dma_wait3A_477 = arith.constant 0 : i32
        %dma_wait3A_478 = tpu.memref_slice %arg6[%dma_wait3A_472, %dma_wait3A_477] : memref<157x128xi32, #tpu.memory_space<vmem>> -> memref<1x128xi32, #tpu.memory_space<vmem>>
        %dma_wait3A_479 = tpu.memref_squeeze %dma_wait3A_478 : memref<1x128xi32, #tpu.memory_space<vmem>> -> memref<128xi32, #tpu.memory_space<vmem>>
        %dma_wait3A_480 = arith.constant 0 : i32
        %dma_wait3A_481 = arith.constant 0 : i32
        %dma_wait3A_482 = tpu.memref_slice %arg16[%dma_wait3A_480, %dma_wait3A_481] : memref<10000x64xf32, #tpu.memory_space<vmem_shared>> -> memref<10000x64xf32, #tpu.memory_space<vmem_shared>>
        tpu.wait_indirect_dma semaphore(%arg14 : memref<!tpu.dma_semaphore, #tpu.memory_space<semaphore_mem>>) src(%dma_wait3A_476 : memref<128x64xf32, #tpu.memory_space<vmem>>) dst(%dma_wait3A_482 : memref<10000x64xf32, #tpu.memory_space<vmem_shared>>)
      } else {
      }
      %add3A_452 = arith.constant 3 : i32
      %add3A_453 = arith.addi %add3A_400, %add3A_452 : i32
      %lt3A_454 = arith.constant 78 : i32
      %lt3A_455 = arith.cmpi slt, %add3A_453, %lt3A_454 : i32
      %convert_element_type3A_456 = arith.extui %lt3A_455 : i1 to i32
      %cond3A_457 = arith.constant 0 : i32
      %cond3A_458 = arith.cmpi ne, %convert_element_type3A_456, %cond3A_457 : i32
      scf.if %cond3A_458 {
        %add3A_459 = arith.constant 3 : i32
        %add3A_460 = arith.addi %add3A_400, %add3A_459 : i32
        %mul3A_461 = arith.constant 2 : i32
        %mul3A_462 = arith.muli %add3A_460, %mul3A_461 : i32
        %add3A_463 = arith.addi %add3A, %mul3A_462 : i32
        %mul3A_464 = arith.constant 128 : i32
        %mul3A_465 = arith.muli %add3A_463, %mul3A_464 : i32
        %dma_start3A_466 = arith.constant 2 : i32
        %dma_start3A_467 = arith.constant 0 : i32
        %dma_start3A_468 = arith.constant 0 : i32
        %dma_start3A_469 = tpu.memref_slice %arg7[%dma_start3A_466, %dma_start3A_467, %dma_start3A_468] : memref<4x256x64xf32, #tpu.memory_space<vmem>> -> memref<1x256x64xf32, #tpu.memory_space<vmem>>
        %dma_start3A_470 = tpu.memref_squeeze %dma_start3A_469 : memref<1x256x64xf32, #tpu.memory_space<vmem>> -> memref<256x64xf32, #tpu.memory_space<vmem>>
        %dma_start3A_471 = tpu.memref_slice %arg2[%mul3A_465, %mul3A_0] : memref<320000x128xf32, #tpu.memory_space<hbm>> -> memref<256x64xf32, #tpu.memory_space<hbm>>
        %dma_start3A_472 = arith.constant 0 : i32
        %dma_start3A_473 = arith.constant 0 : i32
        %dma_start3A_474 = tpu.memref_slice %arg7[%dma_start3A_466, %dma_start3A_472, %dma_start3A_473] : memref<4x256x64xf32, #tpu.memory_space<vmem>> -> memref<1x256x64xf32, #tpu.memory_space<vmem>>
        %dma_start3A_475 = tpu.memref_squeeze %dma_start3A_474 : memref<1x256x64xf32, #tpu.memory_space<vmem>> -> memref<256x64xf32, #tpu.memory_space<vmem>>
        %dma_start3A_476 = tpu.memref_slice %arg2[%mul3A_465, %mul3A_0] : memref<320000x128xf32, #tpu.memory_space<hbm>> -> memref<256x64xf32, #tpu.memory_space<hbm>>
        tpu.enqueue_dma source(%dma_start3A_476 : memref<256x64xf32, #tpu.memory_space<hbm>>) target(%dma_start3A_475 : memref<256x64xf32, #tpu.memory_space<vmem>>) target_semaphore(%arg10 : memref<!tpu.dma_semaphore, #tpu.memory_space<semaphore_mem>>)
      } else {
      }
    }
    %scan3A_54 = arith.constant 19 : i32
    %add3A_55 = arith.constant 152 : i32
    %add3A_56 = arith.addi %add3A, %add3A_55 : i32
    %mul3A_57 = arith.constant 128 : i32
    %mul3A_58 = arith.muli %add3A_56, %mul3A_57 : i32
    %dma_wait3A = arith.constant 0 : i32
    %dma_wait3A_59 = arith.constant 0 : i32
    %dma_wait3A_60 = arith.constant 0 : i32
    %dma_wait3A_61 = tpu.memref_slice %arg7[%dma_wait3A, %dma_wait3A_59, %dma_wait3A_60] : memref<4x256x64xf32, #tpu.memory_space<vmem>> -> memref<1x256x64xf32, #tpu.memory_space<vmem>>
    %dma_wait3A_62 = tpu.memref_squeeze %dma_wait3A_61 : memref<1x256x64xf32, #tpu.memory_space<vmem>> -> memref<256x64xf32, #tpu.memory_space<vmem>>
    %dma_wait3A_63 = tpu.memref_slice %arg2[%mul3A_58, %mul3A_0] : memref<320000x128xf32, #tpu.memory_space<hbm>> -> memref<256x64xf32, #tpu.memory_space<hbm>>
    %dma_wait3A_64 = arith.constant 0 : i32
    %dma_wait3A_65 = arith.constant 0 : i32
    %dma_wait3A_66 = tpu.memref_slice %arg7[%dma_wait3A, %dma_wait3A_64, %dma_wait3A_65] : memref<4x256x64xf32, #tpu.memory_space<vmem>> -> memref<1x256x64xf32, #tpu.memory_space<vmem>>
    %dma_wait3A_67 = tpu.memref_squeeze %dma_wait3A_66 : memref<1x256x64xf32, #tpu.memory_space<vmem>> -> memref<256x64xf32, #tpu.memory_space<vmem>>
    %dma_wait3A_68 = tpu.memref_slice %arg2[%mul3A_58, %mul3A_0] : memref<320000x128xf32, #tpu.memory_space<hbm>> -> memref<256x64xf32, #tpu.memory_space<hbm>>
    tpu.wait_dma2 semaphore(%arg8 : memref<!tpu.dma_semaphore, #tpu.memory_space<semaphore_mem>>) src(%dma_wait3A_68 : memref<256x64xf32, #tpu.memory_space<hbm>>) dst(%dma_wait3A_67 : memref<256x64xf32, #tpu.memory_space<vmem>>)
    %dma_start3A_69 = arith.constant 0 : i32
    %dma_start3A_70 = arith.constant 152 : i32
    %dma_start3A_71 = arith.constant 0 : i32
    %dma_start3A_72 = arith.constant 0 : i32
    %dma_start3A_73 = tpu.memref_slice %arg7[%dma_start3A_69, %dma_start3A_71, %dma_start3A_72] : memref<4x256x64xf32, #tpu.memory_space<vmem>> -> memref<1x128x64xf32, #tpu.memory_space<vmem>>
    %dma_start3A_74 = tpu.memref_squeeze %dma_start3A_73 : memref<1x128x64xf32, #tpu.memory_space<vmem>> -> memref<128x64xf32, #tpu.memory_space<vmem>>
    %dma_start3A_75 = arith.constant 0 : i32
    %dma_start3A_76 = tpu.memref_slice %arg6[%dma_start3A_70, %dma_start3A_75] : memref<157x128xi32, #tpu.memory_space<vmem>> -> memref<1x128xi32, #tpu.memory_space<vmem>>
    %dma_start3A_77 = tpu.memref_squeeze %dma_start3A_76 : memref<1x128xi32, #tpu.memory_space<vmem>> -> memref<128xi32, #tpu.memory_space<vmem>>
    %dma_start3A_78 = arith.constant 0 : i32
    %dma_start3A_79 = arith.constant 0 : i32
    %dma_start3A_80 = tpu.memref_slice %arg16[%dma_start3A_78, %dma_start3A_79] : memref<10000x64xf32, #tpu.memory_space<vmem_shared>> -> memref<10000x64xf32, #tpu.memory_space<vmem_shared>>
    tpu.enqueue_indirect_dma source(%dma_start3A_74 : memref<128x64xf32, #tpu.memory_space<vmem>>) target(%dma_start3A_80 : memref<10000x64xf32, #tpu.memory_space<vmem_shared>>) offsets(%dma_start3A_77 : memref<128xi32, #tpu.memory_space<vmem>>) semaphore(%arg12 : memref<!tpu.dma_semaphore, #tpu.memory_space<semaphore_mem>>) {add = true}
    %dma_start3A_81 = arith.constant 0 : i32
    %dma_start3A_82 = arith.constant 153 : i32
    %dma_start3A_83 = arith.constant 128 : i32
    %dma_start3A_84 = arith.constant 0 : i32
    %dma_start3A_85 = tpu.memref_slice %arg7[%dma_start3A_81, %dma_start3A_83, %dma_start3A_84] : memref<4x256x64xf32, #tpu.memory_space<vmem>> -> memref<1x128x64xf32, #tpu.memory_space<vmem>>
    %dma_start3A_86 = tpu.memref_squeeze %dma_start3A_85 : memref<1x128x64xf32, #tpu.memory_space<vmem>> -> memref<128x64xf32, #tpu.memory_space<vmem>>
    %dma_start3A_87 = arith.constant 0 : i32
    %dma_start3A_88 = tpu.memref_slice %arg6[%dma_start3A_82, %dma_start3A_87] : memref<157x128xi32, #tpu.memory_space<vmem>> -> memref<1x128xi32, #tpu.memory_space<vmem>>
    %dma_start3A_89 = tpu.memref_squeeze %dma_start3A_88 : memref<1x128xi32, #tpu.memory_space<vmem>> -> memref<128xi32, #tpu.memory_space<vmem>>
    %dma_start3A_90 = arith.constant 0 : i32
    %dma_start3A_91 = arith.constant 0 : i32
    %dma_start3A_92 = tpu.memref_slice %arg16[%dma_start3A_90, %dma_start3A_91] : memref<10000x64xf32, #tpu.memory_space<vmem_shared>> -> memref<10000x64xf32, #tpu.memory_space<vmem_shared>>
    tpu.enqueue_indirect_dma source(%dma_start3A_86 : memref<128x64xf32, #tpu.memory_space<vmem>>) target(%dma_start3A_92 : memref<10000x64xf32, #tpu.memory_space<vmem_shared>>) offsets(%dma_start3A_89 : memref<128xi32, #tpu.memory_space<vmem>>) semaphore(%arg12 : memref<!tpu.dma_semaphore, #tpu.memory_space<semaphore_mem>>) {add = true}
    %dma_wait3A_93 = arith.constant 3 : i32
    %dma_wait3A_94 = arith.constant 0 : i32
    %dma_wait3A_95 = arith.constant 0 : i32
    %dma_wait3A_96 = arith.constant 0 : i32
    %dma_wait3A_97 = tpu.memref_slice %arg7[%dma_wait3A_93, %dma_wait3A_95, %dma_wait3A_96] : memref<4x256x64xf32, #tpu.memory_space<vmem>> -> memref<1x128x64xf32, #tpu.memory_space<vmem>>
    %dma_wait3A_98 = tpu.memref_squeeze %dma_wait3A_97 : memref<1x128x64xf32, #tpu.memory_space<vmem>> -> memref<128x64xf32, #tpu.memory_space<vmem>>
    %dma_wait3A_99 = arith.constant 0 : i32
    %dma_wait3A_100 = tpu.memref_slice %arg6[%dma_wait3A_94, %dma_wait3A_99] : memref<157x128xi32, #tpu.memory_space<vmem>> -> memref<1x128xi32, #tpu.memory_space<vmem>>
    %dma_wait3A_101 = tpu.memref_squeeze %dma_wait3A_100 : memref<1x128xi32, #tpu.memory_space<vmem>> -> memref<128xi32, #tpu.memory_space<vmem>>
    %dma_wait3A_102 = arith.constant 0 : i32
    %dma_wait3A_103 = arith.constant 0 : i32
    %dma_wait3A_104 = tpu.memref_slice %arg16[%dma_wait3A_102, %dma_wait3A_103] : memref<10000x64xf32, #tpu.memory_space<vmem_shared>> -> memref<10000x64xf32, #tpu.memory_space<vmem_shared>>
    tpu.wait_indirect_dma semaphore(%arg15 : memref<!tpu.dma_semaphore, #tpu.memory_space<semaphore_mem>>) src(%dma_wait3A_98 : memref<128x64xf32, #tpu.memory_space<vmem>>) dst(%dma_wait3A_104 : memref<10000x64xf32, #tpu.memory_space<vmem_shared>>)
    %dma_wait3A_105 = arith.constant 3 : i32
    %dma_wait3A_106 = arith.constant 0 : i32
    %dma_wait3A_107 = arith.constant 0 : i32
    %dma_wait3A_108 = arith.constant 0 : i32
    %dma_wait3A_109 = tpu.memref_slice %arg7[%dma_wait3A_105, %dma_wait3A_107, %dma_wait3A_108] : memref<4x256x64xf32, #tpu.memory_space<vmem>> -> memref<1x128x64xf32, #tpu.memory_space<vmem>>
    %dma_wait3A_110 = tpu.memref_squeeze %dma_wait3A_109 : memref<1x128x64xf32, #tpu.memory_space<vmem>> -> memref<128x64xf32, #tpu.memory_space<vmem>>
    %dma_wait3A_111 = arith.constant 0 : i32
    %dma_wait3A_112 = tpu.memref_slice %arg6[%dma_wait3A_106, %dma_wait3A_111] : memref<157x128xi32, #tpu.memory_space<vmem>> -> memref<1x128xi32, #tpu.memory_space<vmem>>
    %dma_wait3A_113 = tpu.memref_squeeze %dma_wait3A_112 : memref<1x128xi32, #tpu.memory_space<vmem>> -> memref<128xi32, #tpu.memory_space<vmem>>
    %dma_wait3A_114 = arith.constant 0 : i32
    %dma_wait3A_115 = arith.constant 0 : i32
    %dma_wait3A_116 = tpu.memref_slice %arg16[%dma_wait3A_114, %dma_wait3A_115] : memref<10000x64xf32, #tpu.memory_space<vmem_shared>> -> memref<10000x64xf32, #tpu.memory_space<vmem_shared>>
    tpu.wait_indirect_dma semaphore(%arg15 : memref<!tpu.dma_semaphore, #tpu.memory_space<semaphore_mem>>) src(%dma_wait3A_110 : memref<128x64xf32, #tpu.memory_space<vmem>>) dst(%dma_wait3A_116 : memref<10000x64xf32, #tpu.memory_space<vmem_shared>>)
    %add3A_117 = arith.constant 154 : i32
    %add3A_118 = arith.addi %add3A, %add3A_117 : i32
    %mul3A_119 = arith.constant 128 : i32
    %mul3A_120 = arith.muli %add3A_118, %mul3A_119 : i32
    %dma_wait3A_121 = arith.constant 1 : i32
    %dma_wait3A_122 = arith.constant 0 : i32
    %dma_wait3A_123 = arith.constant 0 : i32
    %dma_wait3A_124 = tpu.memref_slice %arg7[%dma_wait3A_121, %dma_wait3A_122, %dma_wait3A_123] : memref<4x256x64xf32, #tpu.memory_space<vmem>> -> memref<1x256x64xf32, #tpu.memory_space<vmem>>
    %dma_wait3A_125 = tpu.memref_squeeze %dma_wait3A_124 : memref<1x256x64xf32, #tpu.memory_space<vmem>> -> memref<256x64xf32, #tpu.memory_space<vmem>>
    %dma_wait3A_126 = tpu.memref_slice %arg2[%mul3A_120, %mul3A_0] : memref<320000x128xf32, #tpu.memory_space<hbm>> -> memref<256x64xf32, #tpu.memory_space<hbm>>
    %dma_wait3A_127 = arith.constant 0 : i32
    %dma_wait3A_128 = arith.constant 0 : i32
    %dma_wait3A_129 = tpu.memref_slice %arg7[%dma_wait3A_121, %dma_wait3A_127, %dma_wait3A_128] : memref<4x256x64xf32, #tpu.memory_space<vmem>> -> memref<1x256x64xf32, #tpu.memory_space<vmem>>
    %dma_wait3A_130 = tpu.memref_squeeze %dma_wait3A_129 : memref<1x256x64xf32, #tpu.memory_space<vmem>> -> memref<256x64xf32, #tpu.memory_space<vmem>>
    %dma_wait3A_131 = tpu.memref_slice %arg2[%mul3A_120, %mul3A_0] : memref<320000x128xf32, #tpu.memory_space<hbm>> -> memref<256x64xf32, #tpu.memory_space<hbm>>
    tpu.wait_dma2 semaphore(%arg9 : memref<!tpu.dma_semaphore, #tpu.memory_space<semaphore_mem>>) src(%dma_wait3A_131 : memref<256x64xf32, #tpu.memory_space<hbm>>) dst(%dma_wait3A_130 : memref<256x64xf32, #tpu.memory_space<vmem>>)
    %dma_start3A_132 = arith.constant 1 : i32
    %dma_start3A_133 = arith.constant 154 : i32
    %dma_start3A_134 = arith.constant 0 : i32
    %dma_start3A_135 = arith.constant 0 : i32
    %dma_start3A_136 = tpu.memref_slice %arg7[%dma_start3A_132, %dma_start3A_134, %dma_start3A_135] : memref<4x256x64xf32, #tpu.memory_space<vmem>> -> memref<1x128x64xf32, #tpu.memory_space<vmem>>
    %dma_start3A_137 = tpu.memref_squeeze %dma_start3A_136 : memref<1x128x64xf32, #tpu.memory_space<vmem>> -> memref<128x64xf32, #tpu.memory_space<vmem>>
    %dma_start3A_138 = arith.constant 0 : i32
    %dma_start3A_139 = tpu.memref_slice %arg6[%dma_start3A_133, %dma_start3A_138] : memref<157x128xi32, #tpu.memory_space<vmem>> -> memref<1x128xi32, #tpu.memory_space<vmem>>
    %dma_start3A_140 = tpu.memref_squeeze %dma_start3A_139 : memref<1x128xi32, #tpu.memory_space<vmem>> -> memref<128xi32, #tpu.memory_space<vmem>>
    %dma_start3A_141 = arith.constant 0 : i32
    %dma_start3A_142 = arith.constant 0 : i32
    %dma_start3A_143 = tpu.memref_slice %arg16[%dma_start3A_141, %dma_start3A_142] : memref<10000x64xf32, #tpu.memory_space<vmem_shared>> -> memref<10000x64xf32, #tpu.memory_space<vmem_shared>>
    tpu.enqueue_indirect_dma source(%dma_start3A_137 : memref<128x64xf32, #tpu.memory_space<vmem>>) target(%dma_start3A_143 : memref<10000x64xf32, #tpu.memory_space<vmem_shared>>) offsets(%dma_start3A_140 : memref<128xi32, #tpu.memory_space<vmem>>) semaphore(%arg13 : memref<!tpu.dma_semaphore, #tpu.memory_space<semaphore_mem>>) {add = true}
    %dma_start3A_144 = arith.constant 1 : i32
    %dma_start3A_145 = arith.constant 155 : i32
    %dma_start3A_146 = arith.constant 128 : i32
    %dma_start3A_147 = arith.constant 0 : i32
    %dma_start3A_148 = tpu.memref_slice %arg7[%dma_start3A_144, %dma_start3A_146, %dma_start3A_147] : memref<4x256x64xf32, #tpu.memory_space<vmem>> -> memref<1x128x64xf32, #tpu.memory_space<vmem>>
    %dma_start3A_149 = tpu.memref_squeeze %dma_start3A_148 : memref<1x128x64xf32, #tpu.memory_space<vmem>> -> memref<128x64xf32, #tpu.memory_space<vmem>>
    %dma_start3A_150 = arith.constant 0 : i32
    %dma_start3A_151 = tpu.memref_slice %arg6[%dma_start3A_145, %dma_start3A_150] : memref<157x128xi32, #tpu.memory_space<vmem>> -> memref<1x128xi32, #tpu.memory_space<vmem>>
    %dma_start3A_152 = tpu.memref_squeeze %dma_start3A_151 : memref<1x128xi32, #tpu.memory_space<vmem>> -> memref<128xi32, #tpu.memory_space<vmem>>
    %dma_start3A_153 = arith.constant 0 : i32
    %dma_start3A_154 = arith.constant 0 : i32
    %dma_start3A_155 = tpu.memref_slice %arg16[%dma_start3A_153, %dma_start3A_154] : memref<10000x64xf32, #tpu.memory_space<vmem_shared>> -> memref<10000x64xf32, #tpu.memory_space<vmem_shared>>
    tpu.enqueue_indirect_dma source(%dma_start3A_149 : memref<128x64xf32, #tpu.memory_space<vmem>>) target(%dma_start3A_155 : memref<10000x64xf32, #tpu.memory_space<vmem_shared>>) offsets(%dma_start3A_152 : memref<128xi32, #tpu.memory_space<vmem>>) semaphore(%arg13 : memref<!tpu.dma_semaphore, #tpu.memory_space<semaphore_mem>>) {add = true}
    %dma_wait3A_156 = arith.constant 0 : i32
    %dma_wait3A_157 = arith.constant 0 : i32
    %dma_wait3A_158 = arith.constant 0 : i32
    %dma_wait3A_159 = arith.constant 0 : i32
    %dma_wait3A_160 = tpu.memref_slice %arg7[%dma_wait3A_156, %dma_wait3A_158, %dma_wait3A_159] : memref<4x256x64xf32, #tpu.memory_space<vmem>> -> memref<1x128x64xf32, #tpu.memory_space<vmem>>
    %dma_wait3A_161 = tpu.memref_squeeze %dma_wait3A_160 : memref<1x128x64xf32, #tpu.memory_space<vmem>> -> memref<128x64xf32, #tpu.memory_space<vmem>>
    %dma_wait3A_162 = arith.constant 0 : i32
    %dma_wait3A_163 = tpu.memref_slice %arg6[%dma_wait3A_157, %dma_wait3A_162] : memref<157x128xi32, #tpu.memory_space<vmem>> -> memref<1x128xi32, #tpu.memory_space<vmem>>
    %dma_wait3A_164 = tpu.memref_squeeze %dma_wait3A_163 : memref<1x128xi32, #tpu.memory_space<vmem>> -> memref<128xi32, #tpu.memory_space<vmem>>
    %dma_wait3A_165 = arith.constant 0 : i32
    %dma_wait3A_166 = arith.constant 0 : i32
    %dma_wait3A_167 = tpu.memref_slice %arg16[%dma_wait3A_165, %dma_wait3A_166] : memref<10000x64xf32, #tpu.memory_space<vmem_shared>> -> memref<10000x64xf32, #tpu.memory_space<vmem_shared>>
    tpu.wait_indirect_dma semaphore(%arg12 : memref<!tpu.dma_semaphore, #tpu.memory_space<semaphore_mem>>) src(%dma_wait3A_161 : memref<128x64xf32, #tpu.memory_space<vmem>>) dst(%dma_wait3A_167 : memref<10000x64xf32, #tpu.memory_space<vmem_shared>>)
    %dma_wait3A_168 = arith.constant 0 : i32
    %dma_wait3A_169 = arith.constant 0 : i32
    %dma_wait3A_170 = arith.constant 0 : i32
    %dma_wait3A_171 = arith.constant 0 : i32
    %dma_wait3A_172 = tpu.memref_slice %arg7[%dma_wait3A_168, %dma_wait3A_170, %dma_wait3A_171] : memref<4x256x64xf32, #tpu.memory_space<vmem>> -> memref<1x128x64xf32, #tpu.memory_space<vmem>>
    %dma_wait3A_173 = tpu.memref_squeeze %dma_wait3A_172 : memref<1x128x64xf32, #tpu.memory_space<vmem>> -> memref<128x64xf32, #tpu.memory_space<vmem>>
    %dma_wait3A_174 = arith.constant 0 : i32
    %dma_wait3A_175 = tpu.memref_slice %arg6[%dma_wait3A_169, %dma_wait3A_174] : memref<157x128xi32, #tpu.memory_space<vmem>> -> memref<1x128xi32, #tpu.memory_space<vmem>>
    %dma_wait3A_176 = tpu.memref_squeeze %dma_wait3A_175 : memref<1x128xi32, #tpu.memory_space<vmem>> -> memref<128xi32, #tpu.memory_space<vmem>>
    %dma_wait3A_177 = arith.constant 0 : i32
    %dma_wait3A_178 = arith.constant 0 : i32
    %dma_wait3A_179 = tpu.memref_slice %arg16[%dma_wait3A_177, %dma_wait3A_178] : memref<10000x64xf32, #tpu.memory_space<vmem_shared>> -> memref<10000x64xf32, #tpu.memory_space<vmem_shared>>
    tpu.wait_indirect_dma semaphore(%arg12 : memref<!tpu.dma_semaphore, #tpu.memory_space<semaphore_mem>>) src(%dma_wait3A_173 : memref<128x64xf32, #tpu.memory_space<vmem>>) dst(%dma_wait3A_179 : memref<10000x64xf32, #tpu.memory_space<vmem_shared>>)
    %dma_wait3A_180 = arith.constant 1 : i32
    %dma_wait3A_181 = arith.constant 0 : i32
    %dma_wait3A_182 = arith.constant 0 : i32
    %dma_wait3A_183 = arith.constant 0 : i32
    %dma_wait3A_184 = tpu.memref_slice %arg7[%dma_wait3A_180, %dma_wait3A_182, %dma_wait3A_183] : memref<4x256x64xf32, #tpu.memory_space<vmem>> -> memref<1x128x64xf32, #tpu.memory_space<vmem>>
    %dma_wait3A_185 = tpu.memref_squeeze %dma_wait3A_184 : memref<1x128x64xf32, #tpu.memory_space<vmem>> -> memref<128x64xf32, #tpu.memory_space<vmem>>
    %dma_wait3A_186 = arith.constant 0 : i32
    %dma_wait3A_187 = tpu.memref_slice %arg6[%dma_wait3A_181, %dma_wait3A_186] : memref<157x128xi32, #tpu.memory_space<vmem>> -> memref<1x128xi32, #tpu.memory_space<vmem>>
    %dma_wait3A_188 = tpu.memref_squeeze %dma_wait3A_187 : memref<1x128xi32, #tpu.memory_space<vmem>> -> memref<128xi32, #tpu.memory_space<vmem>>
    %dma_wait3A_189 = arith.constant 0 : i32
    %dma_wait3A_190 = arith.constant 0 : i32
    %dma_wait3A_191 = tpu.memref_slice %arg16[%dma_wait3A_189, %dma_wait3A_190] : memref<10000x64xf32, #tpu.memory_space<vmem_shared>> -> memref<10000x64xf32, #tpu.memory_space<vmem_shared>>
    tpu.wait_indirect_dma semaphore(%arg13 : memref<!tpu.dma_semaphore, #tpu.memory_space<semaphore_mem>>) src(%dma_wait3A_185 : memref<128x64xf32, #tpu.memory_space<vmem>>) dst(%dma_wait3A_191 : memref<10000x64xf32, #tpu.memory_space<vmem_shared>>)
    %dma_wait3A_192 = arith.constant 1 : i32
    %dma_wait3A_193 = arith.constant 0 : i32
    %dma_wait3A_194 = arith.constant 0 : i32
    %dma_wait3A_195 = arith.constant 0 : i32
    %dma_wait3A_196 = tpu.memref_slice %arg7[%dma_wait3A_192, %dma_wait3A_194, %dma_wait3A_195] : memref<4x256x64xf32, #tpu.memory_space<vmem>> -> memref<1x128x64xf32, #tpu.memory_space<vmem>>
    %dma_wait3A_197 = tpu.memref_squeeze %dma_wait3A_196 : memref<1x128x64xf32, #tpu.memory_space<vmem>> -> memref<128x64xf32, #tpu.memory_space<vmem>>
    %dma_wait3A_198 = arith.constant 0 : i32
    %dma_wait3A_199 = tpu.memref_slice %arg6[%dma_wait3A_193, %dma_wait3A_198] : memref<157x128xi32, #tpu.memory_space<vmem>> -> memref<1x128xi32, #tpu.memory_space<vmem>>
    %dma_wait3A_200 = tpu.memref_squeeze %dma_wait3A_199 : memref<1x128xi32, #tpu.memory_space<vmem>> -> memref<128xi32, #tpu.memory_space<vmem>>
    %dma_wait3A_201 = arith.constant 0 : i32
    %dma_wait3A_202 = arith.constant 0 : i32
    %dma_wait3A_203 = tpu.memref_slice %arg16[%dma_wait3A_201, %dma_wait3A_202] : memref<10000x64xf32, #tpu.memory_space<vmem_shared>> -> memref<10000x64xf32, #tpu.memory_space<vmem_shared>>
    tpu.wait_indirect_dma semaphore(%arg13 : memref<!tpu.dma_semaphore, #tpu.memory_space<semaphore_mem>>) src(%dma_wait3A_197 : memref<128x64xf32, #tpu.memory_space<vmem>>) dst(%dma_wait3A_203 : memref<10000x64xf32, #tpu.memory_space<vmem_shared>>)
    %lt3A = arith.constant 4 : i32
    %lt3A_204 = arith.cmpi slt, %arg1, %lt3A : i32
    %convert_element_type3A = arith.extui %lt3A_204 : i1 to i32
    %cond3A = arith.constant 0 : i32
    %cond3A_205 = arith.cmpi ne, %convert_element_type3A, %cond3A : i32
    scf.if %cond3A_205 {
      %add3A_211 = arith.constant 156 : i32
      %add3A_212 = arith.addi %add3A, %add3A_211 : i32
      %run_scoped3A = arith.constant 156 : i32
      "tpu.region"() ({
        %run_scoped3A_242 = tpu.sem_alloc : memref<!tpu.dma_semaphore, #tpu.memory_space<semaphore_mem>>
        %dma_start3A_243 = arith.constant 0 : i32
        %dma_start3A_244 = tpu.memref_slice %arg6[%run_scoped3A, %dma_start3A_243] : memref<157x128xi32, #tpu.memory_space<vmem>> -> memref<1x128xi32, #tpu.memory_space<vmem>>
        %dma_start3A_245 = tpu.memref_squeeze %dma_start3A_244 : memref<1x128xi32, #tpu.memory_space<vmem>> -> memref<128xi32, #tpu.memory_space<vmem>>
        %dma_start3A_246 = arith.constant 0 : i32
        %dma_start3A_247 = tpu.memref_slice %arg3[%add3A_212, %dma_start3A_246] : memref<2500x128xi32, #tpu.memory_space<hbm>> -> memref<1x128xi32, #tpu.memory_space<hbm>>
        %dma_start3A_248 = tpu.memref_squeeze %dma_start3A_247 : memref<1x128xi32, #tpu.memory_space<hbm>> -> memref<128xi32, #tpu.memory_space<hbm>>
        %dma_start3A_249 = arith.constant 0 : i32
        %dma_start3A_250 = tpu.memref_slice %arg6[%run_scoped3A, %dma_start3A_249] : memref<157x128xi32, #tpu.memory_space<vmem>> -> memref<1x128xi32, #tpu.memory_space<vmem>>
        %dma_start3A_251 = tpu.memref_squeeze %dma_start3A_250 : memref<1x128xi32, #tpu.memory_space<vmem>> -> memref<128xi32, #tpu.memory_space<vmem>>
        %dma_start3A_252 = arith.constant 0 : i32
        %dma_start3A_253 = tpu.memref_slice %arg3[%add3A_212, %dma_start3A_252] : memref<2500x128xi32, #tpu.memory_space<hbm>> -> memref<1x128xi32, #tpu.memory_space<hbm>>
        %dma_start3A_254 = tpu.memref_squeeze %dma_start3A_253 : memref<1x128xi32, #tpu.memory_space<hbm>> -> memref<128xi32, #tpu.memory_space<hbm>>
        tpu.enqueue_dma source(%dma_start3A_254 : memref<128xi32, #tpu.memory_space<hbm>>) target(%dma_start3A_251 : memref<128xi32, #tpu.memory_space<vmem>>) target_semaphore(%run_scoped3A_242 : memref<!tpu.dma_semaphore, #tpu.memory_space<semaphore_mem>>)
        %dma_wait3A_255 = arith.constant 0 : i32
        %dma_wait3A_256 = tpu.memref_slice %arg6[%run_scoped3A, %dma_wait3A_255] : memref<157x128xi32, #tpu.memory_space<vmem>> -> memref<1x128xi32, #tpu.memory_space<vmem>>
        %dma_wait3A_257 = tpu.memref_squeeze %dma_wait3A_256 : memref<1x128xi32, #tpu.memory_space<vmem>> -> memref<128xi32, #tpu.memory_space<vmem>>
        %dma_wait3A_258 = arith.constant 0 : i32
        %dma_wait3A_259 = tpu.memref_slice %arg3[%add3A_212, %dma_wait3A_258] : memref<2500x128xi32, #tpu.memory_space<hbm>> -> memref<1x128xi32, #tpu.memory_space<hbm>>
        %dma_wait3A_260 = tpu.memref_squeeze %dma_wait3A_259 : memref<1x128xi32, #tpu.memory_space<hbm>> -> memref<128xi32, #tpu.memory_space<hbm>>
        %dma_wait3A_261 = arith.constant 0 : i32
        %dma_wait3A_262 = tpu.memref_slice %arg6[%run_scoped3A, %dma_wait3A_261] : memref<157x128xi32, #tpu.memory_space<vmem>> -> memref<1x128xi32, #tpu.memory_space<vmem>>
        %dma_wait3A_263 = tpu.memref_squeeze %dma_wait3A_262 : memref<1x128xi32, #tpu.memory_space<vmem>> -> memref<128xi32, #tpu.memory_space<vmem>>
        %dma_wait3A_264 = arith.constant 0 : i32
        %dma_wait3A_265 = tpu.memref_slice %arg3[%add3A_212, %dma_wait3A_264] : memref<2500x128xi32, #tpu.memory_space<hbm>> -> memref<1x128xi32, #tpu.memory_space<hbm>>
        %dma_wait3A_266 = tpu.memref_squeeze %dma_wait3A_265 : memref<1x128xi32, #tpu.memory_space<hbm>> -> memref<128xi32, #tpu.memory_space<hbm>>
        tpu.wait_dma2 semaphore(%run_scoped3A_242 : memref<!tpu.dma_semaphore, #tpu.memory_space<semaphore_mem>>) src(%dma_wait3A_266 : memref<128xi32, #tpu.memory_space<hbm>>) dst(%dma_wait3A_263 : memref<128xi32, #tpu.memory_space<vmem>>)
        tpu.yield
      }) : () -> ()
      %add3A_213 = arith.constant 156 : i32
      %add3A_214 = arith.addi %add3A, %add3A_213 : i32
      %mul3A_215 = arith.constant 128 : i32
      %mul3A_216 = arith.muli %add3A_214, %mul3A_215 : i32
      %run_scoped3A_217 = arith.constant 0 : i32
      "tpu.region"() ({
        %run_scoped3A_242 = tpu.sem_alloc : memref<!tpu.dma_semaphore, #tpu.memory_space<semaphore_mem>>
        %dma_start3A_243 = arith.constant 0 : i32
        %dma_start3A_244 = arith.constant 0 : i32
        %dma_start3A_245 = tpu.memref_slice %arg7[%run_scoped3A_217, %dma_start3A_243, %dma_start3A_244] : memref<4x256x64xf32, #tpu.memory_space<vmem>> -> memref<1x128x64xf32, #tpu.memory_space<vmem>>
        %dma_start3A_246 = tpu.memref_squeeze %dma_start3A_245 : memref<1x128x64xf32, #tpu.memory_space<vmem>> -> memref<128x64xf32, #tpu.memory_space<vmem>>
        %dma_start3A_247 = tpu.memref_slice %arg2[%mul3A_216, %mul3A_0] : memref<320000x128xf32, #tpu.memory_space<hbm>> -> memref<128x64xf32, #tpu.memory_space<hbm>>
        %dma_start3A_248 = arith.constant 0 : i32
        %dma_start3A_249 = arith.constant 0 : i32
        %dma_start3A_250 = tpu.memref_slice %arg7[%run_scoped3A_217, %dma_start3A_248, %dma_start3A_249] : memref<4x256x64xf32, #tpu.memory_space<vmem>> -> memref<1x128x64xf32, #tpu.memory_space<vmem>>
        %dma_start3A_251 = tpu.memref_squeeze %dma_start3A_250 : memref<1x128x64xf32, #tpu.memory_space<vmem>> -> memref<128x64xf32, #tpu.memory_space<vmem>>
        %dma_start3A_252 = tpu.memref_slice %arg2[%mul3A_216, %mul3A_0] : memref<320000x128xf32, #tpu.memory_space<hbm>> -> memref<128x64xf32, #tpu.memory_space<hbm>>
        tpu.enqueue_dma source(%dma_start3A_252 : memref<128x64xf32, #tpu.memory_space<hbm>>) target(%dma_start3A_251 : memref<128x64xf32, #tpu.memory_space<vmem>>) target_semaphore(%run_scoped3A_242 : memref<!tpu.dma_semaphore, #tpu.memory_space<semaphore_mem>>)
        %dma_wait3A_253 = arith.constant 0 : i32
        %dma_wait3A_254 = arith.constant 0 : i32
        %dma_wait3A_255 = tpu.memref_slice %arg7[%run_scoped3A_217, %dma_wait3A_253, %dma_wait3A_254] : memref<4x256x64xf32, #tpu.memory_space<vmem>> -> memref<1x128x64xf32, #tpu.memory_space<vmem>>
        %dma_wait3A_256 = tpu.memref_squeeze %dma_wait3A_255 : memref<1x128x64xf32, #tpu.memory_space<vmem>> -> memref<128x64xf32, #tpu.memory_space<vmem>>
        %dma_wait3A_257 = tpu.memref_slice %arg2[%mul3A_216, %mul3A_0] : memref<320000x128xf32, #tpu.memory_space<hbm>> -> memref<128x64xf32, #tpu.memory_space<hbm>>
        %dma_wait3A_258 = arith.constant 0 : i32
        %dma_wait3A_259 = arith.constant 0 : i32
        %dma_wait3A_260 = tpu.memref_slice %arg7[%run_scoped3A_217, %dma_wait3A_258, %dma_wait3A_259] : memref<4x256x64xf32, #tpu.memory_space<vmem>> -> memref<1x128x64xf32, #tpu.memory_space<vmem>>
        %dma_wait3A_261 = tpu.memref_squeeze %dma_wait3A_260 : memref<1x128x64xf32, #tpu.memory_space<vmem>> -> memref<128x64xf32, #tpu.memory_space<vmem>>
        %dma_wait3A_262 = tpu.memref_slice %arg2[%mul3A_216, %mul3A_0] : memref<320000x128xf32, #tpu.memory_space<hbm>> -> memref<128x64xf32, #tpu.memory_space<hbm>>
        tpu.wait_dma2 semaphore(%run_scoped3A_242 : memref<!tpu.dma_semaphore, #tpu.memory_space<semaphore_mem>>) src(%dma_wait3A_262 : memref<128x64xf32, #tpu.memory_space<hbm>>) dst(%dma_wait3A_261 : memref<128x64xf32, #tpu.memory_space<vmem>>)
        tpu.yield
      }) : () -> ()
      %dma_start3A_218 = arith.constant 0 : i32
      %dma_start3A_219 = arith.constant 156 : i32
      %dma_start3A_220 = arith.constant 0 : i32
      %dma_start3A_221 = arith.constant 0 : i32
      %dma_start3A_222 = tpu.memref_slice %arg7[%dma_start3A_218, %dma_start3A_220, %dma_start3A_221] : memref<4x256x64xf32, #tpu.memory_space<vmem>> -> memref<1x128x64xf32, #tpu.memory_space<vmem>>
      %dma_start3A_223 = tpu.memref_squeeze %dma_start3A_222 : memref<1x128x64xf32, #tpu.memory_space<vmem>> -> memref<128x64xf32, #tpu.memory_space<vmem>>
      %dma_start3A_224 = arith.constant 0 : i32
      %dma_start3A_225 = tpu.memref_slice %arg6[%dma_start3A_219, %dma_start3A_224] : memref<157x128xi32, #tpu.memory_space<vmem>> -> memref<1x128xi32, #tpu.memory_space<vmem>>
      %dma_start3A_226 = tpu.memref_squeeze %dma_start3A_225 : memref<1x128xi32, #tpu.memory_space<vmem>> -> memref<128xi32, #tpu.memory_space<vmem>>
      %dma_start3A_227 = arith.constant 0 : i32
      %dma_start3A_228 = arith.constant 0 : i32
      %dma_start3A_229 = tpu.memref_slice %arg16[%dma_start3A_227, %dma_start3A_228] : memref<10000x64xf32, #tpu.memory_space<vmem_shared>> -> memref<10000x64xf32, #tpu.memory_space<vmem_shared>>
      tpu.enqueue_indirect_dma source(%dma_start3A_223 : memref<128x64xf32, #tpu.memory_space<vmem>>) target(%dma_start3A_229 : memref<10000x64xf32, #tpu.memory_space<vmem_shared>>) offsets(%dma_start3A_226 : memref<128xi32, #tpu.memory_space<vmem>>) semaphore(%arg12 : memref<!tpu.dma_semaphore, #tpu.memory_space<semaphore_mem>>) {add = true}
      %dma_wait3A_230 = arith.constant 0 : i32
      %dma_wait3A_231 = arith.constant 156 : i32
      %dma_wait3A_232 = arith.constant 0 : i32
      %dma_wait3A_233 = arith.constant 0 : i32
      %dma_wait3A_234 = tpu.memref_slice %arg7[%dma_wait3A_230, %dma_wait3A_232, %dma_wait3A_233] : memref<4x256x64xf32, #tpu.memory_space<vmem>> -> memref<1x128x64xf32, #tpu.memory_space<vmem>>
      %dma_wait3A_235 = tpu.memref_squeeze %dma_wait3A_234 : memref<1x128x64xf32, #tpu.memory_space<vmem>> -> memref<128x64xf32, #tpu.memory_space<vmem>>
      %dma_wait3A_236 = arith.constant 0 : i32
      %dma_wait3A_237 = tpu.memref_slice %arg6[%dma_wait3A_231, %dma_wait3A_236] : memref<157x128xi32, #tpu.memory_space<vmem>> -> memref<1x128xi32, #tpu.memory_space<vmem>>
      %dma_wait3A_238 = tpu.memref_squeeze %dma_wait3A_237 : memref<1x128xi32, #tpu.memory_space<vmem>> -> memref<128xi32, #tpu.memory_space<vmem>>
      %dma_wait3A_239 = arith.constant 0 : i32
      %dma_wait3A_240 = arith.constant 0 : i32
      %dma_wait3A_241 = tpu.memref_slice %arg16[%dma_wait3A_239, %dma_wait3A_240] : memref<10000x64xf32, #tpu.memory_space<vmem_shared>> -> memref<10000x64xf32, #tpu.memory_space<vmem_shared>>
      tpu.wait_indirect_dma semaphore(%arg12 : memref<!tpu.dma_semaphore, #tpu.memory_space<semaphore_mem>>) src(%dma_wait3A_235 : memref<128x64xf32, #tpu.memory_space<vmem>>) dst(%dma_wait3A_241 : memref<10000x64xf32, #tpu.memory_space<vmem_shared>>)
    } else {
    }
    %barrier3A_206 = arith.constant 0 : index
    tpu.barrier barrier_id(%barrier3A_206)
    %mul3A_207 = arith.constant 625 : i32
    %mul3A_208 = arith.muli %arg1, %mul3A_207 : i32
    %mul3A_209 = arith.constant 625 : i32
    %mul3A_210 = arith.muli %arg1, %mul3A_209 : i32
    "tpu.region"() ({
      %run_scoped3A = tpu.sem_alloc : memref<!tpu.dma_semaphore, #tpu.memory_space<semaphore_mem>>
      %dma_start3A_211 = tpu.memref_slice %arg5[%mul3A_210, %mul3A_0] : memref<10000x128xf32, #tpu.memory_space<hbm>> -> memref<625x64xf32, #tpu.memory_space<hbm>>
      %dma_start3A_212 = arith.constant 0 : i32
      %dma_start3A_213 = tpu.memref_slice %arg16[%mul3A_208, %dma_start3A_212] : memref<10000x64xf32, #tpu.memory_space<vmem_shared>> -> memref<625x64xf32, #tpu.memory_space<vmem_shared>>
      tpu.enqueue_dma source(%dma_start3A_213 : memref<625x64xf32, #tpu.memory_space<vmem_shared>>) target(%dma_start3A_211 : memref<625x64xf32, #tpu.memory_space<hbm>>) target_semaphore(%run_scoped3A : memref<!tpu.dma_semaphore, #tpu.memory_space<semaphore_mem>>)
      %dma_wait3A_214 = tpu.memref_slice %arg5[%mul3A_210, %mul3A_0] : memref<10000x128xf32, #tpu.memory_space<hbm>> -> memref<625x64xf32, #tpu.memory_space<hbm>>
      %dma_wait3A_215 = arith.constant 0 : i32
      %dma_wait3A_216 = tpu.memref_slice %arg16[%mul3A_208, %dma_wait3A_215] : memref<10000x64xf32, #tpu.memory_space<vmem_shared>> -> memref<625x64xf32, #tpu.memory_space<vmem_shared>>
      tpu.wait_dma2 semaphore(%run_scoped3A : memref<!tpu.dma_semaphore, #tpu.memory_space<semaphore_mem>>) src(%dma_wait3A_216 : memref<625x64xf32, #tpu.memory_space<vmem_shared>>) dst(%dma_wait3A_214 : memref<625x64xf32, #tpu.memory_space<hbm>>)
      tpu.yield
    }) : () -> ()
    return
  }
}

</mosaic_0001>

<sc_bundles>
// kernel: kernel.3.cloned.1.call-start
scs
__scs_entry_jumppad:
0x0: {  	(pc) =	sbr.rel $0x88, $3  }
0x1: {  	(tag) =	ssettag $0x0;
	lr =	simm.s32 $0x1  }
0x2: {  	[smem:$0x3F9F] =	sst lr;
	_ =	strace $0xD0000000  }
0x3: {  	_ = 	snop  }
0x4: {  	_ = 	snop  }
0x5: {  	_ = 	snop  }
0x6: {  	_ = 	snop  }
0x7: {  	_ = 	snop  }
__scs_overlays_trampoline_lowered:
0x8: {  	[smem:$0x3FAE] =	sst s0  }
0x9: {  	[smem:$0x3FAF] =	sst s1  }
0xa: {  	[smem:$0x3FB0] =	sst s2  }
0xb: {  	[smem:$0x3FB1] =	sst s3  }
0xc: {  	[smem:$0x3FB2] =	sst s4  }
0xd: {  	[smem:$0x3FB3] =	sst s5  }
0xe: {  	[smem:$0x3FB4] =	sst s6  }
0xf: {  	[smem:$0x3FB5] =	sst s7  }
0x10: {  	[smem:$0x3FB6] =	sst s8  }
0x11: {  	[smem:$0x3FB7] =	sst s9;
	s0 =	simm.s32 @!p0 $0x0  }
0x12: {  	s1 =	sld [smem:$0x3F9D];
	s0 =	simm.s32 @p0 $0x1  }
0x13: {  	[smem:$0x3FB8] =	sst s0;
	s0 =	simm.s32 @!p1 $0x0  }
0x14: {  	s2 =	sld [smem:$0x3F9C];
	s0 =	simm.s32 @p1 $0x1  }
0x15: {  	[smem:$0x3FB9] =	sst s0;
	s0 =	simm.s32 @!p2 $0x0  }
0x16: {  	s3 =	sld [smem:$0x3FDB];
	s0 =	simm.s32 @p2 $0x1  }
0x17: {  	s4 =	simm.s32 $0x1BF5;
	[smem:$0x3FBB] =	sst s0  }
0x18: {  	s0 =	sld [smem:$0x3F9E];
	_ =	swait.ge [sflag:s4], $0x0  }
0x19: {  	s7 =	sld [smem:$0x3F9F]  }
0x1a: {  	s8 =	sadd.s32 $0xFFFFE003, lr  }
0x1b: {  	s9 =	sadd.s32 $0xFFFFFEF7, lr;
	s5 =	simm.s32 $0xFFFFFFFF;
	p2 =	slt.u32 s8, $0xFFFFF086  }
0x1c: {  	p1 =	slt.u32 s9, $0xF7A;
	s5 =	simm.s32 @!p2 $0x0  }
0x1d: {  	s5 =	simm.s32 @p1 $0x1;
	p0 =	seq.s32 s7, s2  }
0x1e: {  	s7 =	smul.u32 @!p0 $0xF7A, s2;
	p2 =	seq.s32 @!p0 s5, $0x0  }
0x1f: {  	s9 =	smul.u32 $0xF7A, s1;
	s8 =	simm.s32 @!p0 $0x1BF5;
	p2 =	por !p2, p0  }
0x20: {  	[sflag:s8] =	ssyncset.s32 @!p0 $0xFFFFF086;
	s6 =	sadd.s32 @!p0 s3, s7;
	s7 =	simm.s32 @!p0 $0x108  }
0x21: {  	s3 =	sadd.s32 s3, s9;
	s6 =	sadd.s32 @!p0 $0x88, s6;
	s7 =	simm.s32 @p2 $0x1082  }
0x22: {  	[simem:s7], [sflag:s8] =	dma.local @!p0 [hbm:s6], $0xF7A  }
0x23: {  	s9 =	sor.u32 $0xD0000000, s2;
	s6 =	simm.s32 $0x108;
	_ =	swait.ge @!p0 [sflag:s8], $0x0  }
0x24: {  	s3 =	sadd.s32 $0x88, s3;
	s6 =	simm.s32 @!p1 $0x1082;
	[sflag:s4] =	ssyncset.s32 $0xFFFFF086  }
0x25: {  	[simem:s6], [sflag:s4] =	dma.local [hbm:s3], $0xF7A  }
0x26: {  	[smem:$0x3F9F] =	sst s1;
	(tag) =	ssettag s2;
	_ =	strace s9  }
0x27: {  	s1 =	sld [smem:$0x3FAF]  }
0x28: {  	s2 =	sld [smem:$0x3FB0]  }
0x29: {  	s4 =	sld [smem:$0x3FB2]  }
0x2a: {  	p0 =	seq.s32 s5, $0x0;
	s5 =	sld [smem:$0x3FB3]  }
0x2b: {  	s6 =	sld [smem:$0x3FB4]  }
0x2c: {  	s7 =	sld [smem:$0x3FB5]  }
0x2d: {  	s3 =	simm.s32 $0x108;
	s8 =	sld [smem:$0x3FB6]  }
0x2e: {  	s3 =	simm.s32 @!p0 $0x1082;
	s9 =	sld [smem:$0x3FB7]  }
0x2f: {  	lr =	sadd.s32 s0, s3;
	s0 =	sld [smem:$0x3FAE]  }
0x30: {  	s3 =	sld [smem:$0x3FB1]  }
0x31: {  	[smem:$0x3FBA] =	sst s10  }
0x32: {  	s10 =	sld [smem:$0x3FB8];
	_ =	sdelay $0x3  }
0x33: {  	p0 =	seq.s32 s10, $0x1;
	s10 =	sld [smem:$0x3FBA];
	_ =	sdelay $0x3  }
0x34: {  	[smem:$0x3FBA] =	sst s10  }
0x35: {  	s10 =	sld [smem:$0x3FB9];
	_ =	sdelay $0x3  }
0x36: {  	p1 =	seq.s32 s10, $0x1;
	s10 =	sld [smem:$0x3FBA];
	_ =	sdelay $0x3  }
0x37: {  	[smem:$0x3FBA] =	sst s10  }
0x38: {  	s10 =	sld [smem:$0x3FBB]  }
0x39: {  	_ = 	snop;
	(pc) =	sbr.ind lr, $3  }
0x3a: {  	_ = 	snop  }
0x3b: {  	_ = 	snop  }
0x3c: {  	p2 =	seq.s32 s10, $0x1;
	s10 =	sld [smem:$0x3FBA]  }
0x3d: {  	_ =	shalt  }
0x3e: {  	_ =	shalt  }
0x3f: {  	_ =	shalt  }
0x40: {  	_ =	shalt  }
0x41: {  	_ =	shalt  }
0x42: {  	_ =	shalt  }
0x43: {  	_ =	shalt  }
0x44: {  	_ =	shalt  }
0x45: {  	_ =	shalt  }
0x46: {  	_ =	shalt  }
0x47: {  	_ =	shalt  }
0x48: {  	_ =	shalt  }
0x49: {  	_ =	shalt  }
0x4a: {  	_ =	shalt  }
0x4b: {  	_ =	shalt  }
0x4c: {  	_ =	shalt  }
0x4d: {  	_ =	shalt  }
0x4e: {  	_ =	shalt  }
0x4f: {  	_ =	shalt  }
0x50: {  	_ =	shalt  }
0x51: {  	_ =	shalt  }
0x52: {  	_ =	shalt  }
0x53: {  	_ =	shalt  }
0x54: {  	_ =	shalt  }
0x55: {  	_ =	shalt  }
0x56: {  	_ =	shalt  }
0x57: {  	_ =	shalt  }
0x58: {  	_ =	shalt  }
0x59: {  	_ =	shalt  }
0x5a: {  	_ =	shalt  }
0x5b: {  	_ =	shalt  }
0x5c: {  	_ =	shalt  }
0x5d: {  	_ =	shalt  }
0x5e: {  	_ =	shalt  }
0x5f: {  	_ =	shalt  }
0x60: {  	_ =	shalt  }
0x61: {  	_ =	shalt  }
0x62: {  	_ =	shalt  }
0x63: {  	_ =	shalt  }
0x64: {  	_ =	shalt  }
0x65: {  	_ =	shalt  }
0x66: {  	_ =	shalt  }
0x67: {  	_ =	shalt  }
0x68: {  	_ =	shalt  }
0x69: {  	_ =	shalt  }
0x6a: {  	_ =	shalt  }
0x6b: {  	_ =	shalt  }
0x6c: {  	_ =	shalt  }
0x6d: {  	_ =	shalt  }
0x6e: {  	_ =	shalt  }
0x6f: {  	_ =	shalt  }
0x70: {  	_ =	shalt  }
0x71: {  	_ =	shalt  }
0x72: {  	_ =	shalt  }
0x73: {  	_ =	shalt  }
0x74: {  	_ =	shalt  }
0x75: {  	_ =	shalt  }
0x76: {  	_ =	shalt  }
0x77: {  	_ =	shalt  }
0x78: {  	_ =	shalt  }
0x79: {  	_ =	shalt  }
0x7a: {  	_ =	shalt  }
0x7b: {  	_ =	shalt  }
0x7c: {  	_ =	shalt  }
0x7d: {  	_ =	shalt  }
0x7e: {  	_ =	shalt  }
0x7f: {  	_ =	shalt  }
0x80: {  	_ =	shalt  }
0x81: {  	_ =	shalt  }
0x82: {  	_ =	shalt  }
0x83: {  	_ =	shalt  }
0x84: {  	_ =	shalt  }
0x85: {  	_ =	shalt  }
0x86: {  	_ =	shalt  }
0x87: {  	_ =	shalt  }
.Lfunc_end0:
.L_simem_size_0:
called_computation_lowered:
.L_overlay_start_0:
0x88: {  	s2 =	sld [smem:$0x3FD9]  }
0x89: {  	s3 =	sld [smem:$0x3FFE];
	_ =	sdelay $0x1  }
0x8a: {  	s1 =	srdreg.scid  }
0x8b: {  	s0 =	sand.u32 $0x1, s1  }
0x8c: {  	s17 =	sshll.u32 s0, $0xA;
	s2 =	sadd.s32 s3, s2  }
0x8d: {  	s2 =	sadd.s32 s2, s17  }
0x8e: {  	[smem:$0x3FC6] =	sst s2  }
0x8f: {  	_ = 	snop  }
0x90: {  	s2 =	sld [smem:$0x3FC9]  }
0x91: {  	s18 =	sld [smem:$0x3FC8]  }
0x92: {  	s4 =	sld [smem:$0x3FD0];
	(tm) =	ssettm $0x1  }
0x93: {  	s5 =	sld [smem:$0x3FFB];
	_ =	sdelay $0x3  }
0x94: {  	_ =	strace s5  }
0x95: {  	s5 =	sld [smem:$0x3FFC];
	_ =	sdelay $0x3  }
0x96: {  	_ =	strace s5  }
0x97: {  	s5 =	sld [smem:$0x3FFD];
	_ =	sdelay $0x3  }
0x98: {  	_ =	strace s5  }
0x99: {  	_ =	strace $0x8FFFFFFF  }
0x9a: {  	s19 =	sld [smem:$0x3FDB];
	_ =	sdelay $0x1  }
0x9b: {  	s6 =	simm.s32 $_scs_section_size  }
0x9c: {  	s7 =	simm.s32 $_size__tile_overlayer_lowered;
	s8 =	simm.s32 $_tile_overlayer_lowered  }
0x9d: {  	s22 =	simm.s32 $0x1BFF;
	s21 =	sshll.u32 s8, $0x1;
	s5 =	sadd.s32 s6, s19  }
0x9e: {  	s9 =	simm.s32 $0x0;
	s20 =	sshll.u32 s7, $0x1;
	s7 =	sadd.s32 s21, s5  }
0x9f: {  	[timem:s9], [sflag:s22] =	dma.local [hbm:s7], s20  }
0xa0: {  	_ =	swait.ge [sflag:s22], s20  }
0xa1: {  	s6 =	ssub.s32 $0x0, s20;
	[sflag:s22] =	ssyncset.done $0x0  }
0xa2: {  	[sflag:s22] =	ssyncadd.s32 s6;
	_ =	sdelay $0x1  }
0xa3: {  	s23 =	simm.s32 $0x1B8B  }
0xa4: {  	_ =	swait.ge [sflag:s23], $0x1  }
0xa5: {  	[sflag:s23] =	ssyncset.done $0x0  }
0xa6: {  	s25 =	simm.s32 $0x1B8E;
	s24 =	sld [smem:$0x3FFE];
	[sflag:s23] =	ssyncadd.s32 $0xFFFFFFFF  }
0xa7: {  	s26 =	simm.s32 $execute0_lowered;
	[smem:$0x3FD2] =	sst s25  }
0xa8: {  	s7 =	sshll.u32 s26, $0x1;
	_ =	strace $0x80000046;
	[dreg:$0x1] =	wrdreg $0xFFFFFFFF  }
0xa9: {  	s28 =	simm.s32 $_size_execute0_lowered;
	s5 =	sadd.s32 s5, s7;
	[dreg:$0x0] =	wrdreg $0x0  }
0xaa: {  	s7 =	sshll.u32 s28, $0x1;
	[dreg:$0x2] =	wrdreg s5  }
0xab: {  	[dreg:$0x3] =	wrdreg s7  }
0xac: {  	[dreg:$0x4] =	wrdreg $0xC0  }
0xad: {  	_ =	task [dreg:s9], $0x5FFFF  }
0xae: {  	[dreg:$0x1] =	wrdreg $0xFFFFFFFF  }
0xaf: {  	[dreg:$0x0] =	wrdreg $0x60  }
0xb0: {  	[dreg:$0x2] =	wrdreg s2  }
0xb1: {  	[dreg:$0x3] =	wrdreg s18  }
0xb2: {  	[dreg:$0x4] =	wrdreg s24  }
0xb3: {  	[dreg:$0x5] =	wrdreg s4  }
0xb4: {  	[dreg:$0x6] =	wrdreg $0x14E800  }
0xb5: {  	[dreg:$0x7] =	wrdreg $0x9  }
0xb6: {  	_ =	task.clear_ibuf [dreg:s9], $0x8FFFF;
	_ =	strace $0x90000046  }
0xb7: {  	s29 =	simm.s32 $0x9;
	_ =	strace $0x80000048  }
0xb8: {  	_ =	swait.ge [sflag:s29], $0x1  }
0xb9: {  	[sflag:s29] =	ssyncadd.s32 $0xFFFFFFFF  }
0xba: {  	_ =	strace $0x90000048  }
0xbb: {  	_ =	sfence  }
0xbc: {  	s30 =	sld [smem:$0x0];
	_ =	sdelay $0x2  }
0xbd: {  	s31 =	sshll.u32 s1, $0xD;
	s1 =	sshrl.u32 s1, $0x2  }
0xbe: {  	s3 =	sand.u32 $0x4000, s31;
	s1 =	sadd.s32 s1, s30  }
0xbf: {  	s0 =	sor.u32 s3, s0;
	s1 =	sshll.u32 s1, $0x11  }
0xc0: {  	s0 =	sor.u32 s1, s0  }
0xc1: {  	s0 =	sadd.s32 $0x8F2B, s0  }
0xc2: {  	[sflag:s0] =	ssyncadd.remote.s32 $0x1  }
0xc3: {  	_ =	sfence.sel $0xFFFF  }
0xc4: {  	[dreg:$0x0] =	wrdreg $0xFFFFFFFF;
	(pc) =	sbr.abs _section_cstart, $3  }
0xc5: {  	[dreg:$0x1] =	wrdreg $0xFFFFFFFF  }
0xc6: {  	_ =	task.clear_ibuf [dreg:s9], $0x2FFFF;
	_ =	strace $0x9FFFFFFF  }
0xc7: {  	(tm) =	ssettm $0x7FFFFFFF  }
tec
execute0_lowered:
.L_overlay_start_1:
0x0: {  	(tag) =	ssettag $0x1  }
0x1: {  	s1 =	rddreg [dreg:$0x0]  }
0x2: {  	s0 =	rddreg [dreg:$0x1]  }
0x3: {  	s3 =	rddreg [dreg:$0x2]  }
0x4: {  	s4 =	rddreg [dreg:$0x3]  }
0x5: {  	s2 =	rddreg [dreg:$0x4];
	s5 =	simm.s32 $0x0  }
0x6: {  	s19 =	srdreg.scid;
	s14 =	stileid.u32;
	s28 =	simm.s32 $0x6E80  }
0x7: {  	s29 =	simm.s32 $0x3;
	s30 =	simm.s32 $0x10E80;
	s31 =	simm.s32 $0x2  }
0x8: {  	[smem:$0x7FF] =	sst s5;
	s5 =	sand.u32 $0x1, s19;
	s6 =	smul.u32 $0x27100, s14  }
0x9: {  	s3 =	sadd.s32 $0x400, s3;
	s7 =	smul.u32 $0x9C, s14;
	s9 =	smin.u32 s14, $0x4  }
0xa: {  	s21 =	sshll.u32 s14, $0x6;
	s17 =	smul.u32 $0x13880, s14;
	p0 =	sgt.u32 s14, $0x3  }
0xb: {  	_ =	strace $0x80000047;
	[dreg:$0x6] =	wrdreg s3;
	s20 =	ssub.s32 $0x2, s5  }
0xc: {  	s5 =	sshll.u32 s5, $0x6;
	s15 =	sor.u32 $0x1C09, s21;
	s8 =	sshrl.u32 s20, $0x1  }
0xd: {  	s6 =	sshrl.u32 s6, $0x2;
	s10 =	sadd.s32 s9, s7;
	s9 =	sshll.u32 s9, $0xE  }
0xe: {  	[dreg:$0x7] =	wrdreg s15;
	s3 =	ssub.s32 s20, s8;
	s8 =	sadd.s32 s6, s2  }
0xf: {  	s7 =	sshll.u32 s10, $0xE;
	s11 =	sshll.u32 s10, $0x4;
	s10 =	sshll.u32 s10, $0x7  }
0x10: {  	s20 =	sor.u32 s5, s17;
	s7 =	sor.u32 s5, s7;
	s22 =	sadd.s32 s0, s11  }
0x11: {  	s10 =	sadd.s32 $0x4E00, s10;
	s21 =	sshrl.u32 s20, $0x3;
	s3 =	smax.u32 s3, $0x1  }
0x12: {  	s20 =	simm.s32 $0x9;
	[dreg:$0x8] =	wrdreg s22;
	s23 =	sshrl.u32 s7, $0x3  }
0x13: {  	s12 =	sadd.s32 $0x8000, s7;
	s26 =	sadd.s32 $0x10000, s7;
	s18 =	sshrl.u32 s10, $0x3  }
0x14: {  	s10 =	sshll.u32 s10, $0x7;
	[dreg:$0xf] =	wrdreg s3;
	s3 =	simm.s32 $0x5  }
0x15: {  	s24 =	sadd.s32 s1, s23;
	s25 =	sshrl.u32 s12, $0x3;
	s13 =	sshrl.u32 s26, $0x3  }
0x16: {  	s0 =	sadd.s32 s0, s18;
	s19 =	sor.u32 s5, s10;
	[dreg:$0x9] =	wrdreg s24  }
0x17: {  	s10 =	simm.s32 $0x7;
	s11 =	sadd.s32 s1, s25;
	[dreg:$0xc] =	wrdreg s0  }
0x18: {  	s12 =	simm.s32 $0x0;
	s16 =	sadd.s32 s1, s13;
	[dreg:$0xa] =	wrdreg s11  }
0x19: {  	s13 =	smul.u32 $0x270000, s14;
	s0 =	sshrl.u32 s19, $0x3;
	[dreg:$0xb] =	wrdreg s16  }
0x1a: {  	s0 =	sadd.s32 s1, s0;
	s11 =	sshrl.u32 s8, $0x3;
	s8 =	simm.s32 $0x4  }
0x1b: {  	s9 =	sadd.s32 s9, s13;
	[dreg:$0xd] =	wrdreg s0;
	s0 =	sadd.s32 s4, s21  }
0x1c: {  	s21 =	simm.s32 $0x40;
	s4 =	simm.s32 $0xEE80;
	[dreg:$0x13] =	wrdreg s11  }
0x1d: {  	s5 =	sor.u32 s5, s9;
	[dreg:$0xe] =	wrdreg s0;
	s9 =	simm.s32 $0x12E80  }
0x1e: {  	s22 =	sadd.s32 $0x30000, s5;
	s23 =	sadd.s32 $0x28000, s5;
	s26 =	sadd.s32 $0x20000, s5  }
.Ltmp0:
0x1f: {  	s5 =	simm.s32 $0x6;
	s0 =	sshrl.u32 s22, $0x3;
	(pc) =	sbr.rel .LBB2_1-.Ltmp0, $4  }
0x20: {  	s24 =	sshrl.u32 s23, $0x3;
	[dreg:$0x12] =	wrdreg s26;
	s22 =	simm.s32 $0x80  }
0x21: {  	s23 =	simm.s32 $0x4E80;
	s26 =	simm.s32 $0x1;
	s0 =	sadd.s32 s0, s1  }
0x22: {  	s25 =	sadd.s32 s24, s1;
	s24 =	simm.s32 $0x8E80;
	[dreg:$0x10] =	wrdreg s0  }
0x23: {  	[dreg:$0x11] =	wrdreg s25;
	s25 =	simm.s32 $0xCE80;
	s0 =	simm.s32 $0xAE80  }
.LBB2_4:
0x24: {  	_ =	swait.ge [sflag:s26], $0x4000  }
0x25: {  	[sflag:s26] =	ssyncset.done $0x0  }
0x26: {  	s6 =	simm.s32 $0x4C00;
	[sflag:s26] =	ssyncadd.s32 $0xFFFFC000  }
0x27: {  	[spmem:s2] =	stream.indirect.scatter.add.f32 [tilespmem:s23], [sflag:$0x5], $0x40, s6, s22, $0xb8;
	[tilespmem:$0x1EAC0] =	vst v63  }
0x28: {  	s13 =	simm.s32 $0x4C80;
	s17 =	simm.s32 $0x8  }
0x29: {  	[spmem:s2] =	stream.indirect.scatter.add.f32 [tilespmem:s28], [sflag:$0x5], $0x40, s13, s22, $0xb8;
	[tilespmem:$0x1EAC0] =	vst v63  }
0x2a: {  	_ =	swait.ge [sflag:s17], $0x2000  }
0x2b: {  	[sflag:s17] =	ssyncset.done $0x0  }
0x2c: {  	[sflag:s17] =	ssyncadd.s32 $0xFFFFE000  }
0x2d: {  	_ =	swait.ge [sflag:s17], $0x2000  }
0x2e: {  	[sflag:s17] =	ssyncset.done $0x0  }
0x2f: {  	[sflag:s17] =	ssyncadd.s32 $0xFFFFE000  }
0x30: {  	_ =	swait.ge [sflag:s31], $0x4000  }
0x31: {  	[sflag:s31] =	ssyncset.done $0x0  }
0x32: {  	s14 =	simm.s32 $0x4D00;
	[sflag:s31] =	ssyncadd.s32 $0xFFFFC000  }
0x33: {  	[spmem:s2] =	stream.indirect.scatter.add.f32 [tilespmem:s24], [sflag:$0x6], $0x40, s14, s22, $0xb8;
	[tilespmem:$0x1EAC0] =	vst v63  }
0x34: {  	s15 =	simm.s32 $0x4D80  }
0x35: {  	[spmem:s2] =	stream.indirect.scatter.add.f32 [tilespmem:s0], [sflag:$0x6], $0x40, s15, s22, $0xb8;
	[tilespmem:$0x1EAC0] =	vst v63  }
0x36: {  	_ =	swait.ge [sflag:s3], $0x2000  }
0x37: {  	[sflag:s3] =	ssyncset.done $0x0  }
0x38: {  	[sflag:s3] =	ssyncadd.s32 $0xFFFFE000  }
0x39: {  	_ =	swait.ge [sflag:s3], $0x2000  }
0x3a: {  	[sflag:s3] =	ssyncset.done $0x0  }
0x3b: {  	[sflag:s3] =	ssyncadd.s32 $0xFFFFE000  }
0x3c: {  	_ =	swait.ge [sflag:s5], $0x2000  }
0x3d: {  	[sflag:s5] =	ssyncset.done $0x0  }
0x3e: {  	[sflag:s5] =	ssyncadd.s32 $0xFFFFE000  }
0x3f: {  	_ =	swait.ge [sflag:s5], $0x2000  }
0x40: {  	s11 =	simm.s32 @!p0 $0x4E00;
	[sflag:s5] =	ssyncset.done $0x0  }
0x41: {  	s6 =	simm.s32 @!p0 $0x0;
	s13 =	rddreg [dreg:$0xc];
	[sflag:s5] =	ssyncadd.s32 $0xFFFFE000  }
0x42: {  	[tilespmem:s11], [sflag:$0x9] =	stream.linear.gather @!p0 [hbm4b:s13+s6], $0x80, $0x38;
	[tilespmem:$0x1EAC0] =	vst v63  }
0x43: {  	s6 =	simm.s32 @!p0 $0x9  }
0x44: {  	_ =	swait.ge @!p0 [sflag:s6], $0x80  }
0x45: {  	s14 =	simm.s32 @!p0 $0x80;
	s15 =	simm.s32 @!p0 $0x4E80;
	[sflag:s6] =	ssyncset.done @!p0 $0x0  }
0x46: {  	s13 =	simm.s32 @!p0 $0x40;
	s16 =	rddreg [dreg:$0xd];
	[sflag:s6] =	ssyncadd.s32 @!p0 $0xFFFFFF80  }
0x47: {  	[tilespmem:s15], [sflag:$0x9] =	stream.strided.gather @!p0 [hbm4b:s16+s13], $0x2000, s14, s13, $0x38;
	[tilespmem:$0x1EAC0] =	vst v63  }
0x48: {  	_ =	swait.ge @!p0 [sflag:s6], $0x2000  }
0x49: {  	[sflag:s6] =	ssyncset.done @!p0 $0x0  }
0x4a: {  	[sflag:s6] =	ssyncadd.s32 @!p0 $0xFFFFE000;
	s6 =	simm.s32 @!p0 $0x5  }
0x4b: {  	[spmem:s2] =	stream.indirect.scatter.add.f32 @!p0 [tilespmem:s15], [sflag:$0x5], $0x40, s11, s14, $0xb8;
	[tilespmem:$0x1EAC0] =	vst v63  }
0x4c: {  	_ =	swait.ge @!p0 [sflag:s6], $0x2000  }
0x4d: {  	[sflag:s6] =	ssyncset.done @!p0 $0x0  }
0x4e: {  	[sflag:s6] =	ssyncadd.s32 @!p0 $0xFFFFE000  }
0x4f: {  	[bflag:$0x0] =	sbarrier.arrive $0xFFFF  }
0x50: {  	s15 =	rddreg [dreg:$0x7]  }
0x51: {  	s16 =	rddreg [dreg:$0xe]  }
0x52: {  	s18 =	simm.s32 $0x10;
	s11 =	rddreg [dreg:$0x13]  }
0x53: {  	[hbm:s16@s18], [sflag:s15] =	dma.strided [spmem:s11@s17], $0x1388, s26, $0x8   }
0x54: {  	_ =	swait.ge [sflag:s20], $0x1388  }
0x55: {  	s12 =	sadd.s32 $0x1, s12;
	s19 =	rddreg [dreg:$0xf]  }
0x56: {  	p1 =	sne.s32 s12, s19  }
.Ltmp1:
0x57: {  	_ = 	snop;
	(pc) =	sbr.rel @!p1 .LBB2_5-.Ltmp1, $3  }
0x58: {  	_ =	sdelay $0x1  }
0x59: {  	[sflag:s20] =	ssyncset.done $0x0  }
0x5a: {  	[sflag:s20] =	ssyncadd.s32 $0xFFFFEC78  }
.LBB2_1:
0x5b: {  	s6 =	rddreg [dreg:$0x6]  }
0x5c: {  	[spmem:s11], [sflag:s15] =	dma.local [hbm:s6], $0x1388  }
0x5d: {  	_ =	swait.ge [sflag:s20], $0x1388  }
0x5e: {  	[sflag:s20] =	ssyncset.done $0x0  }
0x5f: {  	[sflag:s20] =	ssyncadd.s32 $0xFFFFEC78  }
0x60: {  	[bflag:$0x0] =	sbarrier.arrive $0xFFFF  }
0x61: {  	s15 =	simm.s32 $0x0;
	s16 =	rddreg [dreg:$0x8]  }
0x62: {  	[tilespmem:s15], [sflag:$0x9] =	stream.linear.gather [hbm4b:s16+s15], $0x4E00, $0x38;
	[tilespmem:$0x1EAC0] =	vst v63  }
0x63: {  	_ =	swait.ge [sflag:s20], $0x4E00  }
0x64: {  	s17 =	rddreg [dreg:$0x9]  }
0x65: {  	[sflag:s20] =	ssyncset.done $0x0;
	s18 =	rddreg [dreg:$0xa]  }
0x66: {  	s19 =	rddreg [dreg:$0xb];
	[sflag:s20] =	ssyncadd.s32 $0xFFFFB200  }
0x67: {  	[tilespmem:s23], [sflag:$0x1] =	stream.strided.gather [hbm4b:s17+s21], $0x4000, s22, s21, $0x38;
	[tilespmem:$0x1EAC0] =	vst v63  }
0x68: {  	s16 =	rddreg [dreg:$0x10]  }
0x69: {  	[tilespmem:s24], [sflag:$0x2] =	stream.strided.gather [hbm4b:s18+s21], $0x4000, s22, s21, $0x38;
	[tilespmem:$0x1EAC0] =	vst v63  }
0x6a: {  	s17 =	rddreg [dreg:$0x11]  }
0x6b: {  	[tilespmem:s25], [sflag:$0x3] =	stream.strided.gather [hbm4b:s19+s21], $0x4000, s22, s21, $0x38;
	[tilespmem:$0x1EAC0] =	vst v63  }
0x6c: {  	s15 =	simm.s32 $0x0;
	s18 =	rddreg [dreg:$0x12];
	s19 =	simm.s32 $0x3  }
.LBB2_2:
0x6d: {  	_ =	swait.ge [sflag:s26], $0x4000  }
0x6e: {  	[sflag:s26] =	ssyncset.done $0x0  }
0x6f: {  	s13 =	sshra.s32 s15, $0x2;
	[sflag:s26] =	ssyncadd.s32 $0xFFFFC000  }
0x70: {  	[spmem:s2] =	stream.indirect.scatter.add.f32 [tilespmem:s23], [sflag:$0x5], $0x40, s13, s22, $0xb8;
	[tilespmem:$0x1EAC0] =	vst v63  }
0x71: {  	p1 =	seq.s32 s15, $0x0;
	s6 =	sadd.s32 $0x80, s13  }
0x72: {  	[spmem:s2] =	stream.indirect.scatter.add.f32 [tilespmem:s28], [sflag:$0x5], $0x40, s6, s22, $0xb8;
	[tilespmem:$0x1EAC0] =	vst v63  }
0x73: {  	s6 =	simm.s32 @!p1 $0x8  }
0x74: {  	s14 =	smov.u32 s19;
	_ =	swait.ge @!p1 [sflag:s6], $0x2000  }
0x75: {  	s14 =	simm.s32 @p1 $0x3;
	[sflag:s6] =	ssyncset.done @!p1 $0x0  }
0x76: {  	s11 =	sshll.u32 s14, $0xF;
	[sflag:s6] =	ssyncadd.s32 @!p1 $0xFFFFE000  }
0x77: {  	s11 =	sadd.s32 s7, s11;
	_ =	swait.ge @!p1 [sflag:s6], $0x2000  }
0x78: {  	s11 =	sshrl.u32 s11, $0x3;
	[sflag:s6] =	ssyncset.done @!p1 $0x0  }
0x79: {  	s11 =	sadd.s32 s1, s11;
	[sflag:s6] =	ssyncadd.s32 @!p1 $0xFFFFE000  }
0x7a: {  	[tilespmem:s30], [sflag:$0x4] =	stream.strided.gather [hbm4b:s11+s21], $0x4000, s22, s21, $0x38;
	[tilespmem:$0x1EAC0] =	vst v63  }
0x7b: {  	_ =	swait.ge [sflag:s31], $0x4000  }
0x7c: {  	[sflag:s31] =	ssyncset.done $0x0  }
0x7d: {  	s11 =	sadd.s32 $0x100, s13;
	[sflag:s31] =	ssyncadd.s32 $0xFFFFC000  }
0x7e: {  	[spmem:s2] =	stream.indirect.scatter.add.f32 [tilespmem:s24], [sflag:$0x6], $0x40, s11, s22, $0xb8;
	[tilespmem:$0x1EAC0] =	vst v63  }
0x7f: {  	s11 =	sadd.s32 $0x180, s13  }
0x80: {  	[spmem:s2] =	stream.indirect.scatter.add.f32 [tilespmem:s0], [sflag:$0x6], $0x40, s11, s22, $0xb8;
	[tilespmem:$0x1EAC0] =	vst v63  }
0x81: {  	_ =	swait.ge [sflag:s3], $0x2000  }
0x82: {  	[sflag:s3] =	ssyncset.done $0x0  }
0x83: {  	[sflag:s3] =	ssyncadd.s32 $0xFFFFE000  }
0x84: {  	_ =	swait.ge [sflag:s3], $0x2000  }
0x85: {  	s11 =	sshrl.u32 s18, $0x3;
	[sflag:s3] =	ssyncset.done $0x0  }
0x86: {  	s6 =	sadd.s32 s1, s11;
	[sflag:s3] =	ssyncadd.s32 $0xFFFFE000  }
0x87: {  	[tilespmem:s23], [sflag:$0x1] =	stream.strided.gather [hbm4b:s6+s21], $0x4000, s22, s21, $0x38;
	[tilespmem:$0x1EAC0] =	vst v63  }
0x88: {  	_ =	swait.ge [sflag:s29], $0x4000  }
0x89: {  	[sflag:s29] =	ssyncset.done $0x0  }
0x8a: {  	s11 =	sadd.s32 $0x200, s13;
	[sflag:s29] =	ssyncadd.s32 $0xFFFFC000  }
0x8b: {  	[spmem:s2] =	stream.indirect.scatter.add.f32 [tilespmem:s25], [sflag:$0x7], $0x40, s11, s22, $0xb8;
	[tilespmem:$0x1EAC0] =	vst v63  }
0x8c: {  	s13 =	sadd.s32 $0x280, s13  }
0x8d: {  	[spmem:s2] =	stream.indirect.scatter.add.f32 [tilespmem:s4], [sflag:$0x7], $0x40, s13, s22, $0xb8;
	[tilespmem:$0x1EAC0] =	vst v63  }
0x8e: {  	_ =	swait.ge [sflag:s5], $0x2000  }
0x8f: {  	[sflag:s5] =	ssyncset.done $0x0  }
0x90: {  	[sflag:s5] =	ssyncadd.s32 $0xFFFFE000  }
0x91: {  	_ =	swait.ge [sflag:s5], $0x2000  }
0x92: {  	[sflag:s5] =	ssyncset.done $0x0  }
0x93: {  	[sflag:s5] =	ssyncadd.s32 $0xFFFFE000  }
0x94: {  	[tilespmem:s24], [sflag:$0x2] =	stream.strided.gather [hbm4b:s17+s21], $0x4000, s22, s21, $0x38;
	[tilespmem:$0x1EAC0] =	vst v63  }
0x95: {  	_ =	swait.ge [sflag:s8], $0x4000  }
0x96: {  	s14 =	sshll.u32 s14, $0x8;
	[sflag:s8] =	ssyncset.done $0x0  }
0x97: {  	s6 =	sand.u32 $0x3FFFFF00, s14;
	[sflag:s8] =	ssyncadd.s32 $0xFFFFC000  }
0x98: {  	[spmem:s2] =	stream.indirect.scatter.add.f32 [tilespmem:s30], [sflag:$0x8], $0x40, s6, s22, $0xb8;
	[tilespmem:$0x1EAC0] =	vst v63  }
0x99: {  	s6 =	sor.u32 $0x80, s6  }
0x9a: {  	[spmem:s2] =	stream.indirect.scatter.add.f32 [tilespmem:s9], [sflag:$0x8], $0x40, s6, s22, $0xb8;
	[tilespmem:$0x1EAC0] =	vst v63  }
0x9b: {  	p1 =	seq.s32 s15, $0x12000;
	_ =	swait.ge [sflag:s10], $0x2000  }
.Ltmp2:
0x9c: {  	[sflag:s10] =	ssyncset.done $0x0;
	(pc) =	sbr.rel @p1 .LBB2_4-.Ltmp2, $4  }
0x9d: {  	[sflag:s10] =	ssyncadd.s32 $0xFFFFE000  }
0x9e: {  	_ =	swait.ge [sflag:s10], $0x2000  }
0x9f: {  	[sflag:s10] =	ssyncset.done $0x0  }
0xa0: {  	[sflag:s10] =	ssyncadd.s32 $0xFFFFE000  }
.Ltmp3:
0xa1: {  	(pc) =	sbr.rel .LBB2_2-.Ltmp3, $4  }
0xa2: {  	_ = 	snop  }
0xa3: {  	[tilespmem:s25], [sflag:$0x3] =	stream.strided.gather [hbm4b:s16+s21], $0x4000, s22, s21, $0x38;
	[tilespmem:$0x1EAC0] =	vst v63  }
0xa4: {  	s19 =	sadd.s32 $0x4, s19;
	s15 =	sadd.s32 $0x1000, s15  }
0xa5: {  	s16 =	sadd.s32 $0x4000, s16;
	s17 =	sadd.s32 $0x4000, s17;
	s18 =	sadd.s32 $0x20000, s18  }
.LBB2_5:
0xa6: {  	_ =	sfence.sel $0x180000  }
0xa7: {  	[bflag:$0x0] =	sbarrier.arrive $0xFFFF  }
0xa8: {  	_ =	strace $0x90000047  }
0xa9: {  	s0 =	stileid.u32;
	[bflag:$0x2] =	sbarrier.arrive $0xFFFF  }
0xaa: {  	p0 =	sne.s32 s0, $0x0;
	s0 =	rddreg [dreg:$0x5]  }
0xab: {  	s0 =	sadd.s32 @!p0 $0x100000, s0  }
0xac: {  	[sflag:s0] =	ssyncadd.tile.s32 @!p0 $0x1;
	_ =	shalt  }
.Lfunc_end2:
_tile_overlayer_lowered:
.L_overlay_start_2:
0xad: {  	(tag) =	ssettag $0x2  }
0xae: {  	s0 =	rddreg [dreg:$0x0];
	s2 =	stileid.u32  }
0xaf: {  	s1 =	rddreg [dreg:$0x1];
	p0 =	sne.s32 s2, $0x0  }
0xb0: {  	s3 =	rddreg [dreg:$0x2];
	[bflag:$0x3] =	sbarrier.arrive $0xFFFF;
	s2 =	simm.s32 @!p0 $0x1C09  }
0xb1: {  	[timem:s3], [sflag:s2] =	dma.local @!p0 [hbm:s0], s1  }
0xb2: {  	s0 =	simm.s32 @!p0 $0x9  }
0xb3: {  	_ =	swait.ge @!p0 [sflag:s0], s1  }
0xb4: {  	s1 =	ssub.s32 @!p0 $0x0, s1;
	[sflag:s0] =	ssyncset.done @!p0 $0x0  }
0xb5: {  	[sflag:s0] =	ssyncadd.s32 @!p0 s1  }
0xb6: {  	[bflag:$0x3] =	sbarrier.arrive $0xFFFF  }
0xb7: {  	_ =	shalt  }

</sc_bundles>
